<compile_context>
chip_gen: v7x
topology: tpu7x:2x2x1
jax: 0.10.2.dev20260603
libtpu: 0.0.44.dev20260713+nightly
codegen_flags: <defaults>
</compile_context>

<pallas_src>
import functools

import jax
import jax.numpy as jnp
from jax import lax
from jax.experimental import pallas as pl
from jax.experimental.pallas import tpu as pltpu
from jax.experimental.pallas import tpu_sc as plsc

NUM_CODES = 8192
LATENT = 256
BETA = 0.25

CHUNK = 2736
CHUNK_PAD = 2816
N_PAD = 3 * CHUNK_PAD
PAD_SENTINEL = 1e30

BM = 1024
BN = 2816
_N_BLOCKS = N_PAD // BN
_BIG_IDX = 2 ** 30


def _bf16r(x):
    return x.astype(jnp.bfloat16).astype(jnp.float32)


def _argmin_body(zsq_ref, csq_ref, z_ref, c_ref, idx_ref, minv_ref,
                 m0, m1, m2, a0, a1, a2):
    n = pl.program_id(1)
    zb = z_ref[...]
    cb = c_ref[...]
    mm = lax.dot_general(zb.astype(jnp.bfloat16), cb.astype(jnp.bfloat16),
                         (((1,), (1,)), ((), ())),
                         preferred_element_type=jnp.float32)
    dist = (zsq_ref[...] + csq_ref[...]) - mm * 2.0
    chunk = n
    jidx = lax.broadcasted_iota(jnp.int32, (BM, BN), 1)
    bmin = jnp.min(dist, axis=1, keepdims=True)
    bidx = jnp.min(jnp.where(dist == bmin, jidx, _BIG_IDX),
                   axis=1, keepdims=True) + n * CHUNK

    @pl.when(n == 0)
    def _init():
        for mr, ar in ((m0, a0), (m1, a1), (m2, a2)):
            mr[...] = jnp.full((BM, 1), jnp.inf, jnp.float32)
            ar[...] = jnp.zeros((BM, 1), jnp.int32)

    for k, (mr, ar) in enumerate(((m0, a0), (m1, a1), (m2, a2))):
        @pl.when(chunk == k)
        def _merge(mr=mr, ar=ar):
            better = bmin < mr[...]
            ar[...] = jnp.where(better, bidx, ar[...])
            mr[...] = jnp.where(better, bmin, mr[...])

    @pl.when(n == _N_BLOCKS - 1)
    def _emit():
        accv = _bf16r(m0[...])
        acci = a0[...]
        tv = m0[...]
        for mr, ar in ((m1, a1), (m2, a2)):
            mk = mr[...]
            win = mk < accv
            accv = jnp.where(win, _bf16r(mk), accv)
            acci = jnp.where(win, ar[...], acci)
            tv = jnp.where(win, mk, tv)
        idx_ref[...] = acci
        minv_ref[...] = tv


def _argmin_call(z_flat, cw_pad, zsq2d, csq2d):
    grid = (z_flat.shape[0] // BM, _N_BLOCKS)
    return pl.pallas_call(
        _argmin_body,
        grid=grid,
        in_specs=[
            pl.BlockSpec((BM, 1), lambda m, n: (m, 0)),
            pl.BlockSpec((1, BN), lambda m, n: (0, n)),
            pl.BlockSpec((BM, LATENT), lambda m, n: (m, 0)),
            pl.BlockSpec((BN, LATENT), lambda m, n: (n, 0)),
        ],
        out_specs=[
            pl.BlockSpec((BM, 1), lambda m, n: (m, 0)),
            pl.BlockSpec((BM, 1), lambda m, n: (m, 0)),
        ],
        out_shape=[
            jax.ShapeDtypeStruct((z_flat.shape[0], 1), jnp.int32),
            jax.ShapeDtypeStruct((z_flat.shape[0], 1), jnp.float32),
        ],
        scratch_shapes=[pltpu.VMEM((BM, 1), jnp.float32)] * 3
                      + [pltpu.VMEM((BM, 1), jnp.int32)] * 3,
    )(zsq2d, csq2d, z_flat, cw_pad)



_SC_MESH = plsc.VectorSubcoreMesh(core_axis_name="c", subcore_axis_name="s")


def _sc_body(idx_hbm, cw_hbm, ones_hbm, zeros_hbm, zq_hbm, cnt_hbm,
             idx_v, rows_v, ones_v, cnt_sh, sem):
    c = lax.axis_index("c")
    s = lax.axis_index("s")
    w = c * 16 + s
    r0 = w * 4
    pltpu.sync_copy(idx_hbm.at[pl.ds(r0, 4)], idx_v)
    pltpu.sync_copy(ones_hbm, ones_v)
    for j in range(4):
        pltpu.async_copy(cw_hbm.at[idx_v.at[j]], rows_v, sem).wait()
        pltpu.sync_copy(rows_v, zq_hbm.at[pl.ds(r0 * 128 + j * 128, 128)])

    @pl.when(s == 0)
    def _zero():
        pltpu.sync_copy(zeros_hbm, cnt_sh)

    plsc.subcore_barrier()
    for j in range(4):
        pltpu.sync_copy(ones_v, cnt_sh.at[idx_v.at[j]], add=True)
    plsc.subcore_barrier()
    pltpu.sync_copy(cnt_sh.at[pl.ds(s * 512, 512)],
                    cnt_hbm.at[c, pl.ds(s * 512, 512)])


@functools.partial(
    pl.kernel,
    out_type=[
        jax.ShapeDtypeStruct((16384, LATENT), jnp.float32),
        jax.ShapeDtypeStruct((2, NUM_CODES), jnp.float32),
    ],
    mesh=_SC_MESH,
    scratch_types=[
        pltpu.VMEM((4, 128), jnp.int32),
        pltpu.VMEM((128, LATENT), jnp.float32),
        pltpu.VMEM((128,), jnp.float32),
        pltpu.VMEM_SHARED((NUM_CODES,), jnp.float32),
        pltpu.SemaphoreType.DMA,
    ],
)
def _sc_gather_hist(idx_hbm, cw_hbm, ones_hbm, zeros_hbm, zq_hbm, cnt_hbm,
                    idx_v, rows_v, ones_v, cnt_sh, sem):
    _sc_body(idx_hbm, cw_hbm, ones_hbm, zeros_hbm, zq_hbm, cnt_hbm,
             idx_v, rows_v, ones_v, cnt_sh, sem)




def _stats_body(cnt_ref, minv_ref, cb_ref, ppl_ref, util_ref, emb_ref):
    cnt = cnt_ref[...]
    counts = cnt[0:1, :] + cnt[1:2, :]
    active = jnp.sum((counts > 0).astype(jnp.float32))
    avg = counts * (1.0 / 16384.0)
    ent = jnp.sum(avg * jnp.log(avg + 1e-10))
    emb = jnp.sum(minv_ref[...]) * (1.0 / (16384.0 * LATENT))
    cb_ref[...] = jnp.reshape(BETA * emb, (1, 1))
    ppl_ref[...] = jnp.reshape(jnp.exp(-ent), (1, 1))
    util_ref[...] = jnp.reshape(100.0 * active / NUM_CODES, (1, 1))
    emb_ref[...] = jnp.reshape(emb, (1, 1))


def _stats_call(cnt2, minv128):
    return pl.pallas_call(
        _stats_body,
        out_shape=[jax.ShapeDtypeStruct((1, 1), jnp.float32)] * 4,
    )(cnt2, minv128)


def kernel(z, codebook_weight):
    B, C, H, W = z.shape
    z_permuted = jnp.transpose(z, (0, 2, 3, 1))
    z_flat = jnp.reshape(z_permuted, (-1, LATENT))
    n_vec = z_flat.shape[0]

    zsq = jnp.sum(z_flat ** 2, axis=1)
    csq = jnp.sum(codebook_weight ** 2, axis=1)

    cw_pad = jnp.zeros((N_PAD, LATENT), jnp.float32)
    csq_pad = jnp.full((N_PAD,), PAD_SENTINEL, jnp.float32)
    for k in range(3):
        lo, hi = k * CHUNK, min((k + 1) * CHUNK, NUM_CODES)
        cw_pad = lax.dynamic_update_slice(cw_pad, codebook_weight[lo:hi],
                                          (k * CHUNK_PAD, 0))
        csq_pad = lax.dynamic_update_slice(csq_pad, csq[lo:hi],
                                           (k * CHUNK_PAD,))

    idx2d, minv2d = _argmin_call(z_flat, cw_pad, zsq[:, None], csq_pad[None, :])
    indices = idx2d[:, 0]

    z_q, cnt2 = _sc_gather_hist(
        jnp.reshape(indices, (128, 128)), codebook_weight,
        jnp.ones((128,), jnp.float32), jnp.zeros((NUM_CODES,), jnp.float32))

    cb, ppl, util, emb = _stats_call(cnt2, jnp.reshape(minv2d, (128, 128)))
    codebook_loss = jnp.reshape(cb, ())
    perplexity = jnp.reshape(ppl, ())
    utilization_pct = jnp.reshape(util, ())
    embedding_loss = jnp.reshape(emb, ())

    z_q_out = jnp.transpose(z_q.reshape(B, H, W, C), (0, 3, 1, 2))
    return (z_q_out, indices, codebook_loss, perplexity,
            utilization_pct, embedding_loss)

# --- scband reference (transcript-rebuilt; emitter-appended) ---
"""Pipeline reference for scband-code-book-10806137717503 (READ-ONLY COPY).

The authoritative reference and input builder live on the scoring server;
editing this copy changes nothing except your own understanding.
"""

import jax, jax.numpy as jnp
import numpy as np

NUM_CODES = 8192
LATENT = 256
BETA = 0.25


def setup_inputs(seed: int = 0) -> dict:
    key = jax.random.key(seed)
    k1, k2 = jax.random.split(key)
    z = jax.random.normal(k1, (16, 256, 32, 32), dtype=jnp.float32)
    codebook_weight = jax.random.uniform(
        k2, (NUM_CODES, LATENT), dtype=jnp.float32,
        minval=-1.0 / NUM_CODES, maxval=1.0 / NUM_CODES)
    return {"z": z, "codebook_weight": codebook_weight}


def reference(z, codebook_weight):
    # z: [B, C, H, W] -> [B, H, W, C]
    z_permuted = jnp.transpose(z, (0, 2, 3, 1))
    # torch.no_grad() block: compute with stopped gradients
    z_flattened = jax.lax.stop_gradient(jnp.reshape(z_permuted, (-1, LATENT)))
    cw_ng = jax.lax.stop_gradient(codebook_weight)
    distance = (jnp.sum(z_flattened ** 2, axis=1, keepdims=True)
                + jnp.sum(cw_ng ** 2, axis=1)
                - 2.0 * jnp.matmul(z_flattened, cw_ng.T))
    indices = jnp.argmin(distance, axis=1)
    z_q_nograd = jnp.take(cw_ng, indices, axis=0).reshape(z_permuted.shape)
    encodings = jax.nn.one_hot(indices, NUM_CODES, dtype=jnp.float32)
    batch_cluster_size = jnp.sum(encodings, axis=0)
    # eval mode: no EMA/usage update. active codes == number of unique indices
    active_codes = jnp.sum(batch_cluster_size > 0).astype(jnp.float32)
    utilization_pct = 100.0 * active_codes / NUM_CODES
    avg_probs = jnp.mean(encodings, axis=0)
    perplexity = jnp.exp(-jnp.sum(avg_probs * jnp.log(avg_probs + 1e-10)))
    embedding_loss_val = jnp.mean((jax.lax.stop_gradient(z_permuted) - z_q_nograd) ** 2)
    commitment_loss = BETA * jnp.mean((jax.lax.stop_gradient(z_q_nograd) - z_permuted) ** 2)
    # use_ema=True branch
    codebook_loss = commitment_loss
    z_q_out = z_permuted + jax.lax.stop_gradient(z_q_nograd - z_permuted)
    z_q_out = jnp.transpose(z_q_out, (0, 3, 1, 2))
    return (z_q_out, indices, codebook_loss, perplexity, utilization_pct, embedding_loss_val)

if __name__ == "__main__":
    import jax
    _d = setup_inputs()
    print(jax.jit(kernel)(*tuple(_d.values())))

</pallas_src>

<mosaic_0001>
#map = affine_map<(d0, d1) -> (0, 0)>
#map1 = affine_map<(d0, d1) -> (0)>
module attributes {stable_mosaic.version = 14 : i64} {
  func.func @_sc_gather_hist(%arg0: i32, %arg1: i32, %arg2: memref<128x128xi32, #tpu.memory_space<hbm>>, %arg3: memref<8192x256xf32, #tpu.memory_space<hbm>>, %arg4: memref<128xf32, #tpu.memory_space<hbm>>, %arg5: memref<8192xf32, #tpu.memory_space<hbm>>, %arg6: memref<16384x256xf32, #tpu.memory_space<hbm>>, %arg7: memref<2x8192xf32, #tpu.memory_space<hbm>>, %arg8: memref<4x128xi32, #tpu.memory_space<vmem>>, %arg9: memref<128x256xf32, #tpu.memory_space<vmem>>, %arg10: memref<128xf32, #tpu.memory_space<vmem>>, %arg11: memref<8192xf32, #tpu.memory_space<vmem_shared>>, %arg12: memref<!tpu.dma_semaphore, #tpu.memory_space<semaphore_mem>>) attributes {dimension_semantics = [#tpu.dimension_semantics<core_parallel>, #tpu.dimension_semantics<subcore_parallel>], iteration_bounds = array<i64: 2, 16>, scalar_prefetch = 0 : i64, scratch_operands = 5 : i64, tpu.core_type = #tpu.core_type<sc_vector_subcore>, window_params = [{transform_indices = #map}, {transform_indices = #map}, {transform_indices = #map1}, {transform_indices = #map1}, {transform_indices = #map}, {transform_indices = #map}]} {
    %mul3A = arith.constant 16 : i32
    %mul3A_0 = arith.muli %arg0, %mul3A : i32
    %add3A = arith.addi %mul3A_0, %arg1 : i32
    %mul3A_1 = arith.constant 4 : i32
    %mul3A_2 = arith.muli %add3A, %mul3A_1 : i32
    "tpu.region"() ({
      %run_scoped3A_83 = tpu.sem_alloc : memref<!tpu.dma_semaphore, #tpu.memory_space<semaphore_mem>>
      %dma_start3A_84 = arith.constant 0 : i32
      %dma_start3A_85 = tpu.memref_slice %arg2[%mul3A_2, %dma_start3A_84] : memref<128x128xi32, #tpu.memory_space<hbm>> -> memref<4x128xi32, #tpu.memory_space<hbm>>
      %dma_start3A_86 = arith.constant 0 : i32
      %dma_start3A_87 = tpu.memref_slice %arg2[%mul3A_2, %dma_start3A_86] : memref<128x128xi32, #tpu.memory_space<hbm>> -> memref<4x128xi32, #tpu.memory_space<hbm>>
      tpu.enqueue_dma source(%dma_start3A_87 : memref<4x128xi32, #tpu.memory_space<hbm>>) target(%arg8 : memref<4x128xi32, #tpu.memory_space<vmem>>) target_semaphore(%run_scoped3A_83 : memref<!tpu.dma_semaphore, #tpu.memory_space<semaphore_mem>>)
      %dma_wait3A_88 = arith.constant 0 : i32
      %dma_wait3A_89 = tpu.memref_slice %arg2[%mul3A_2, %dma_wait3A_88] : memref<128x128xi32, #tpu.memory_space<hbm>> -> memref<4x128xi32, #tpu.memory_space<hbm>>
      %dma_wait3A_90 = arith.constant 0 : i32
      %dma_wait3A_91 = tpu.memref_slice %arg2[%mul3A_2, %dma_wait3A_90] : memref<128x128xi32, #tpu.memory_space<hbm>> -> memref<4x128xi32, #tpu.memory_space<hbm>>
      tpu.wait_dma2 semaphore(%run_scoped3A_83 : memref<!tpu.dma_semaphore, #tpu.memory_space<semaphore_mem>>) src(%dma_wait3A_91 : memref<4x128xi32, #tpu.memory_space<hbm>>) dst(%arg8 : memref<4x128xi32, #tpu.memory_space<vmem>>)
      tpu.yield
    }) : () -> ()
    "tpu.region"() ({
      %run_scoped3A_83 = tpu.sem_alloc : memref<!tpu.dma_semaphore, #tpu.memory_space<semaphore_mem>>
      tpu.enqueue_dma source(%arg4 : memref<128xf32, #tpu.memory_space<hbm>>) target(%arg10 : memref<128xf32, #tpu.memory_space<vmem>>) target_semaphore(%run_scoped3A_83 : memref<!tpu.dma_semaphore, #tpu.memory_space<semaphore_mem>>)
      tpu.wait_dma2 semaphore(%run_scoped3A_83 : memref<!tpu.dma_semaphore, #tpu.memory_space<semaphore_mem>>) src(%arg4 : memref<128xf32, #tpu.memory_space<hbm>>) dst(%arg10 : memref<128xf32, #tpu.memory_space<vmem>>)
      tpu.yield
    }) : () -> ()
    %dma_start3A = arith.constant 0 : i32
    %dma_start3A_3 = arith.constant 0 : i32
    %dma_start3A_4 = tpu.memref_slice %arg8[%dma_start3A, %dma_start3A_3] : memref<4x128xi32, #tpu.memory_space<vmem>> -> memref<1x128xi32, #tpu.memory_space<vmem>>
    %dma_start3A_5 = tpu.memref_squeeze %dma_start3A_4 : memref<1x128xi32, #tpu.memory_space<vmem>> -> memref<128xi32, #tpu.memory_space<vmem>>
    %dma_start3A_6 = arith.constant 0 : i32
    %dma_start3A_7 = arith.constant 0 : i32
    %dma_start3A_8 = tpu.memref_slice %arg3[%dma_start3A_6, %dma_start3A_7] : memref<8192x256xf32, #tpu.memory_space<hbm>> -> memref<8192x256xf32, #tpu.memory_space<hbm>>
    tpu.enqueue_indirect_dma source(%dma_start3A_8 : memref<8192x256xf32, #tpu.memory_space<hbm>>) target(%arg9 : memref<128x256xf32, #tpu.memory_space<vmem>>) offsets(%dma_start3A_5 : memref<128xi32, #tpu.memory_space<vmem>>) semaphore(%arg12 : memref<!tpu.dma_semaphore, #tpu.memory_space<semaphore_mem>>)
    %dma_wait3A = arith.constant 0 : i32
    %dma_wait3A_9 = arith.constant 0 : i32
    %dma_wait3A_10 = tpu.memref_slice %arg8[%dma_wait3A, %dma_wait3A_9] : memref<4x128xi32, #tpu.memory_space<vmem>> -> memref<1x128xi32, #tpu.memory_space<vmem>>
    %dma_wait3A_11 = tpu.memref_squeeze %dma_wait3A_10 : memref<1x128xi32, #tpu.memory_space<vmem>> -> memref<128xi32, #tpu.memory_space<vmem>>
    %dma_wait3A_12 = arith.constant 0 : i32
    %dma_wait3A_13 = arith.constant 0 : i32
    %dma_wait3A_14 = tpu.memref_slice %arg3[%dma_wait3A_12, %dma_wait3A_13] : memref<8192x256xf32, #tpu.memory_space<hbm>> -> memref<8192x256xf32, #tpu.memory_space<hbm>>
    tpu.wait_indirect_dma semaphore(%arg12 : memref<!tpu.dma_semaphore, #tpu.memory_space<semaphore_mem>>) src(%dma_wait3A_14 : memref<8192x256xf32, #tpu.memory_space<hbm>>) dst(%arg9 : memref<128x256xf32, #tpu.memory_space<vmem>>)
    %mul3A_15 = arith.constant 128 : i32
    %mul3A_16 = arith.muli %mul3A_2, %mul3A_15 : i32
    %add3A_17 = arith.constant 0 : i32
    %add3A_18 = arith.addi %mul3A_16, %add3A_17 : i32
    "tpu.region"() ({
      %run_scoped3A_83 = tpu.sem_alloc : memref<!tpu.dma_semaphore, #tpu.memory_space<semaphore_mem>>
      %dma_start3A_84 = arith.constant 0 : i32
      %dma_start3A_85 = tpu.memref_slice %arg6[%add3A_18, %dma_start3A_84] : memref<16384x256xf32, #tpu.memory_space<hbm>> -> memref<128x256xf32, #tpu.memory_space<hbm>>
      %dma_start3A_86 = arith.constant 0 : i32
      %dma_start3A_87 = tpu.memref_slice %arg6[%add3A_18, %dma_start3A_86] : memref<16384x256xf32, #tpu.memory_space<hbm>> -> memref<128x256xf32, #tpu.memory_space<hbm>>
      tpu.enqueue_dma source(%arg9 : memref<128x256xf32, #tpu.memory_space<vmem>>) target(%dma_start3A_87 : memref<128x256xf32, #tpu.memory_space<hbm>>) target_semaphore(%run_scoped3A_83 : memref<!tpu.dma_semaphore, #tpu.memory_space<semaphore_mem>>)
      %dma_wait3A_88 = arith.constant 0 : i32
      %dma_wait3A_89 = tpu.memref_slice %arg6[%add3A_18, %dma_wait3A_88] : memref<16384x256xf32, #tpu.memory_space<hbm>> -> memref<128x256xf32, #tpu.memory_space<hbm>>
      %dma_wait3A_90 = arith.constant 0 : i32
      %dma_wait3A_91 = tpu.memref_slice %arg6[%add3A_18, %dma_wait3A_90] : memref<16384x256xf32, #tpu.memory_space<hbm>> -> memref<128x256xf32, #tpu.memory_space<hbm>>
      tpu.wait_dma2 semaphore(%run_scoped3A_83 : memref<!tpu.dma_semaphore, #tpu.memory_space<semaphore_mem>>) src(%arg9 : memref<128x256xf32, #tpu.memory_space<vmem>>) dst(%dma_wait3A_91 : memref<128x256xf32, #tpu.memory_space<hbm>>)
      tpu.yield
    }) : () -> ()
    %dma_start3A_19 = arith.constant 1 : i32
    %dma_start3A_20 = arith.constant 0 : i32
    %dma_start3A_21 = tpu.memref_slice %arg8[%dma_start3A_19, %dma_start3A_20] : memref<4x128xi32, #tpu.memory_space<vmem>> -> memref<1x128xi32, #tpu.memory_space<vmem>>
    %dma_start3A_22 = tpu.memref_squeeze %dma_start3A_21 : memref<1x128xi32, #tpu.memory_space<vmem>> -> memref<128xi32, #tpu.memory_space<vmem>>
    %dma_start3A_23 = arith.constant 0 : i32
    %dma_start3A_24 = arith.constant 0 : i32
    %dma_start3A_25 = tpu.memref_slice %arg3[%dma_start3A_23, %dma_start3A_24] : memref<8192x256xf32, #tpu.memory_space<hbm>> -> memref<8192x256xf32, #tpu.memory_space<hbm>>
    tpu.enqueue_indirect_dma source(%dma_start3A_25 : memref<8192x256xf32, #tpu.memory_space<hbm>>) target(%arg9 : memref<128x256xf32, #tpu.memory_space<vmem>>) offsets(%dma_start3A_22 : memref<128xi32, #tpu.memory_space<vmem>>) semaphore(%arg12 : memref<!tpu.dma_semaphore, #tpu.memory_space<semaphore_mem>>)
    %dma_wait3A_26 = arith.constant 1 : i32
    %dma_wait3A_27 = arith.constant 0 : i32
    %dma_wait3A_28 = tpu.memref_slice %arg8[%dma_wait3A_26, %dma_wait3A_27] : memref<4x128xi32, #tpu.memory_space<vmem>> -> memref<1x128xi32, #tpu.memory_space<vmem>>
    %dma_wait3A_29 = tpu.memref_squeeze %dma_wait3A_28 : memref<1x128xi32, #tpu.memory_space<vmem>> -> memref<128xi32, #tpu.memory_space<vmem>>
    %dma_wait3A_30 = arith.constant 0 : i32
    %dma_wait3A_31 = arith.constant 0 : i32
    %dma_wait3A_32 = tpu.memref_slice %arg3[%dma_wait3A_30, %dma_wait3A_31] : memref<8192x256xf32, #tpu.memory_space<hbm>> -> memref<8192x256xf32, #tpu.memory_space<hbm>>
    tpu.wait_indirect_dma semaphore(%arg12 : memref<!tpu.dma_semaphore, #tpu.memory_space<semaphore_mem>>) src(%dma_wait3A_32 : memref<8192x256xf32, #tpu.memory_space<hbm>>) dst(%arg9 : memref<128x256xf32, #tpu.memory_space<vmem>>)
    %mul3A_33 = arith.constant 128 : i32
    %mul3A_34 = arith.muli %mul3A_2, %mul3A_33 : i32
    %add3A_35 = arith.constant 128 : i32
    %add3A_36 = arith.addi %mul3A_34, %add3A_35 : i32
    "tpu.region"() ({
      %run_scoped3A_83 = tpu.sem_alloc : memref<!tpu.dma_semaphore, #tpu.memory_space<semaphore_mem>>
      %dma_start3A_84 = arith.constant 0 : i32
      %dma_start3A_85 = tpu.memref_slice %arg6[%add3A_36, %dma_start3A_84] : memref<16384x256xf32, #tpu.memory_space<hbm>> -> memref<128x256xf32, #tpu.memory_space<hbm>>
      %dma_start3A_86 = arith.constant 0 : i32
      %dma_start3A_87 = tpu.memref_slice %arg6[%add3A_36, %dma_start3A_86] : memref<16384x256xf32, #tpu.memory_space<hbm>> -> memref<128x256xf32, #tpu.memory_space<hbm>>
      tpu.enqueue_dma source(%arg9 : memref<128x256xf32, #tpu.memory_space<vmem>>) target(%dma_start3A_87 : memref<128x256xf32, #tpu.memory_space<hbm>>) target_semaphore(%run_scoped3A_83 : memref<!tpu.dma_semaphore, #tpu.memory_space<semaphore_mem>>)
      %dma_wait3A_88 = arith.constant 0 : i32
      %dma_wait3A_89 = tpu.memref_slice %arg6[%add3A_36, %dma_wait3A_88] : memref<16384x256xf32, #tpu.memory_space<hbm>> -> memref<128x256xf32, #tpu.memory_space<hbm>>
      %dma_wait3A_90 = arith.constant 0 : i32
      %dma_wait3A_91 = tpu.memref_slice %arg6[%add3A_36, %dma_wait3A_90] : memref<16384x256xf32, #tpu.memory_space<hbm>> -> memref<128x256xf32, #tpu.memory_space<hbm>>
      tpu.wait_dma2 semaphore(%run_scoped3A_83 : memref<!tpu.dma_semaphore, #tpu.memory_space<semaphore_mem>>) src(%arg9 : memref<128x256xf32, #tpu.memory_space<vmem>>) dst(%dma_wait3A_91 : memref<128x256xf32, #tpu.memory_space<hbm>>)
      tpu.yield
    }) : () -> ()
    %dma_start3A_37 = arith.constant 2 : i32
    %dma_start3A_38 = arith.constant 0 : i32
    %dma_start3A_39 = tpu.memref_slice %arg8[%dma_start3A_37, %dma_start3A_38] : memref<4x128xi32, #tpu.memory_space<vmem>> -> memref<1x128xi32, #tpu.memory_space<vmem>>
    %dma_start3A_40 = tpu.memref_squeeze %dma_start3A_39 : memref<1x128xi32, #tpu.memory_space<vmem>> -> memref<128xi32, #tpu.memory_space<vmem>>
    %dma_start3A_41 = arith.constant 0 : i32
    %dma_start3A_42 = arith.constant 0 : i32
    %dma_start3A_43 = tpu.memref_slice %arg3[%dma_start3A_41, %dma_start3A_42] : memref<8192x256xf32, #tpu.memory_space<hbm>> -> memref<8192x256xf32, #tpu.memory_space<hbm>>
    tpu.enqueue_indirect_dma source(%dma_start3A_43 : memref<8192x256xf32, #tpu.memory_space<hbm>>) target(%arg9 : memref<128x256xf32, #tpu.memory_space<vmem>>) offsets(%dma_start3A_40 : memref<128xi32, #tpu.memory_space<vmem>>) semaphore(%arg12 : memref<!tpu.dma_semaphore, #tpu.memory_space<semaphore_mem>>)
    %dma_wait3A_44 = arith.constant 2 : i32
    %dma_wait3A_45 = arith.constant 0 : i32
    %dma_wait3A_46 = tpu.memref_slice %arg8[%dma_wait3A_44, %dma_wait3A_45] : memref<4x128xi32, #tpu.memory_space<vmem>> -> memref<1x128xi32, #tpu.memory_space<vmem>>
    %dma_wait3A_47 = tpu.memref_squeeze %dma_wait3A_46 : memref<1x128xi32, #tpu.memory_space<vmem>> -> memref<128xi32, #tpu.memory_space<vmem>>
    %dma_wait3A_48 = arith.constant 0 : i32
    %dma_wait3A_49 = arith.constant 0 : i32
    %dma_wait3A_50 = tpu.memref_slice %arg3[%dma_wait3A_48, %dma_wait3A_49] : memref<8192x256xf32, #tpu.memory_space<hbm>> -> memref<8192x256xf32, #tpu.memory_space<hbm>>
    tpu.wait_indirect_dma semaphore(%arg12 : memref<!tpu.dma_semaphore, #tpu.memory_space<semaphore_mem>>) src(%dma_wait3A_50 : memref<8192x256xf32, #tpu.memory_space<hbm>>) dst(%arg9 : memref<128x256xf32, #tpu.memory_space<vmem>>)
    %mul3A_51 = arith.constant 128 : i32
    %mul3A_52 = arith.muli %mul3A_2, %mul3A_51 : i32
    %add3A_53 = arith.constant 256 : i32
    %add3A_54 = arith.addi %mul3A_52, %add3A_53 : i32
    "tpu.region"() ({
      %run_scoped3A_83 = tpu.sem_alloc : memref<!tpu.dma_semaphore, #tpu.memory_space<semaphore_mem>>
      %dma_start3A_84 = arith.constant 0 : i32
      %dma_start3A_85 = tpu.memref_slice %arg6[%add3A_54, %dma_start3A_84] : memref<16384x256xf32, #tpu.memory_space<hbm>> -> memref<128x256xf32, #tpu.memory_space<hbm>>
      %dma_start3A_86 = arith.constant 0 : i32
      %dma_start3A_87 = tpu.memref_slice %arg6[%add3A_54, %dma_start3A_86] : memref<16384x256xf32, #tpu.memory_space<hbm>> -> memref<128x256xf32, #tpu.memory_space<hbm>>
      tpu.enqueue_dma source(%arg9 : memref<128x256xf32, #tpu.memory_space<vmem>>) target(%dma_start3A_87 : memref<128x256xf32, #tpu.memory_space<hbm>>) target_semaphore(%run_scoped3A_83 : memref<!tpu.dma_semaphore, #tpu.memory_space<semaphore_mem>>)
      %dma_wait3A_88 = arith.constant 0 : i32
      %dma_wait3A_89 = tpu.memref_slice %arg6[%add3A_54, %dma_wait3A_88] : memref<16384x256xf32, #tpu.memory_space<hbm>> -> memref<128x256xf32, #tpu.memory_space<hbm>>
      %dma_wait3A_90 = arith.constant 0 : i32
      %dma_wait3A_91 = tpu.memref_slice %arg6[%add3A_54, %dma_wait3A_90] : memref<16384x256xf32, #tpu.memory_space<hbm>> -> memref<128x256xf32, #tpu.memory_space<hbm>>
      tpu.wait_dma2 semaphore(%run_scoped3A_83 : memref<!tpu.dma_semaphore, #tpu.memory_space<semaphore_mem>>) src(%arg9 : memref<128x256xf32, #tpu.memory_space<vmem>>) dst(%dma_wait3A_91 : memref<128x256xf32, #tpu.memory_space<hbm>>)
      tpu.yield
    }) : () -> ()
    %dma_start3A_55 = arith.constant 3 : i32
    %dma_start3A_56 = arith.constant 0 : i32
    %dma_start3A_57 = tpu.memref_slice %arg8[%dma_start3A_55, %dma_start3A_56] : memref<4x128xi32, #tpu.memory_space<vmem>> -> memref<1x128xi32, #tpu.memory_space<vmem>>
    %dma_start3A_58 = tpu.memref_squeeze %dma_start3A_57 : memref<1x128xi32, #tpu.memory_space<vmem>> -> memref<128xi32, #tpu.memory_space<vmem>>
    %dma_start3A_59 = arith.constant 0 : i32
    %dma_start3A_60 = arith.constant 0 : i32
    %dma_start3A_61 = tpu.memref_slice %arg3[%dma_start3A_59, %dma_start3A_60] : memref<8192x256xf32, #tpu.memory_space<hbm>> -> memref<8192x256xf32, #tpu.memory_space<hbm>>
    tpu.enqueue_indirect_dma source(%dma_start3A_61 : memref<8192x256xf32, #tpu.memory_space<hbm>>) target(%arg9 : memref<128x256xf32, #tpu.memory_space<vmem>>) offsets(%dma_start3A_58 : memref<128xi32, #tpu.memory_space<vmem>>) semaphore(%arg12 : memref<!tpu.dma_semaphore, #tpu.memory_space<semaphore_mem>>)
    %dma_wait3A_62 = arith.constant 3 : i32
    %dma_wait3A_63 = arith.constant 0 : i32
    %dma_wait3A_64 = tpu.memref_slice %arg8[%dma_wait3A_62, %dma_wait3A_63] : memref<4x128xi32, #tpu.memory_space<vmem>> -> memref<1x128xi32, #tpu.memory_space<vmem>>
    %dma_wait3A_65 = tpu.memref_squeeze %dma_wait3A_64 : memref<1x128xi32, #tpu.memory_space<vmem>> -> memref<128xi32, #tpu.memory_space<vmem>>
    %dma_wait3A_66 = arith.constant 0 : i32
    %dma_wait3A_67 = arith.constant 0 : i32
    %dma_wait3A_68 = tpu.memref_slice %arg3[%dma_wait3A_66, %dma_wait3A_67] : memref<8192x256xf32, #tpu.memory_space<hbm>> -> memref<8192x256xf32, #tpu.memory_space<hbm>>
    tpu.wait_indirect_dma semaphore(%arg12 : memref<!tpu.dma_semaphore, #tpu.memory_space<semaphore_mem>>) src(%dma_wait3A_68 : memref<8192x256xf32, #tpu.memory_space<hbm>>) dst(%arg9 : memref<128x256xf32, #tpu.memory_space<vmem>>)
    %mul3A_69 = arith.constant 128 : i32
    %mul3A_70 = arith.muli %mul3A_2, %mul3A_69 : i32
    %add3A_71 = arith.constant 384 : i32
    %add3A_72 = arith.addi %mul3A_70, %add3A_71 : i32
    "tpu.region"() ({
      %run_scoped3A_83 = tpu.sem_alloc : memref<!tpu.dma_semaphore, #tpu.memory_space<semaphore_mem>>
      %dma_start3A_84 = arith.constant 0 : i32
      %dma_start3A_85 = tpu.memref_slice %arg6[%add3A_72, %dma_start3A_84] : memref<16384x256xf32, #tpu.memory_space<hbm>> -> memref<128x256xf32, #tpu.memory_space<hbm>>
      %dma_start3A_86 = arith.constant 0 : i32
      %dma_start3A_87 = tpu.memref_slice %arg6[%add3A_72, %dma_start3A_86] : memref<16384x256xf32, #tpu.memory_space<hbm>> -> memref<128x256xf32, #tpu.memory_space<hbm>>
      tpu.enqueue_dma source(%arg9 : memref<128x256xf32, #tpu.memory_space<vmem>>) target(%dma_start3A_87 : memref<128x256xf32, #tpu.memory_space<hbm>>) target_semaphore(%run_scoped3A_83 : memref<!tpu.dma_semaphore, #tpu.memory_space<semaphore_mem>>)
      %dma_wait3A_88 = arith.constant 0 : i32
      %dma_wait3A_89 = tpu.memref_slice %arg6[%add3A_72, %dma_wait3A_88] : memref<16384x256xf32, #tpu.memory_space<hbm>> -> memref<128x256xf32, #tpu.memory_space<hbm>>
      %dma_wait3A_90 = arith.constant 0 : i32
      %dma_wait3A_91 = tpu.memref_slice %arg6[%add3A_72, %dma_wait3A_90] : memref<16384x256xf32, #tpu.memory_space<hbm>> -> memref<128x256xf32, #tpu.memory_space<hbm>>
      tpu.wait_dma2 semaphore(%run_scoped3A_83 : memref<!tpu.dma_semaphore, #tpu.memory_space<semaphore_mem>>) src(%arg9 : memref<128x256xf32, #tpu.memory_space<vmem>>) dst(%dma_wait3A_91 : memref<128x256xf32, #tpu.memory_space<hbm>>)
      tpu.yield
    }) : () -> ()
    %eq3A = arith.constant 0 : i32
    %eq3A_73 = arith.cmpi eq, %arg1, %eq3A : i32
    %convert_element_type3A = arith.extui %eq3A_73 : i1 to i32
    %cond3A = arith.constant 0 : i32
    %cond3A_74 = arith.cmpi ne, %convert_element_type3A, %cond3A : i32
    scf.if %cond3A_74 {
      "tpu.region"() ({
        %run_scoped3A_83 = tpu.sem_alloc : memref<!tpu.dma_semaphore, #tpu.memory_space<semaphore_mem>>
        tpu.enqueue_dma source(%arg5 : memref<8192xf32, #tpu.memory_space<hbm>>) target(%arg11 : memref<8192xf32, #tpu.memory_space<vmem_shared>>) target_semaphore(%run_scoped3A_83 : memref<!tpu.dma_semaphore, #tpu.memory_space<semaphore_mem>>)
        tpu.wait_dma2 semaphore(%run_scoped3A_83 : memref<!tpu.dma_semaphore, #tpu.memory_space<semaphore_mem>>) src(%arg5 : memref<8192xf32, #tpu.memory_space<hbm>>) dst(%arg11 : memref<8192xf32, #tpu.memory_space<vmem_shared>>)
        tpu.yield
      }) : () -> ()
    } else {
    }
    %barrier3A = arith.constant 0 : index
    tpu.barrier barrier_id(%barrier3A)
    %run_scoped3A = arith.constant 0 : i32
    "tpu.region"() ({
      %run_scoped3A_83 = tpu.sem_alloc : memref<!tpu.dma_semaphore, #tpu.memory_space<semaphore_mem>>
      %dma_start3A_84 = arith.constant 0 : i32
      %dma_start3A_85 = tpu.memref_slice %arg8[%run_scoped3A, %dma_start3A_84] : memref<4x128xi32, #tpu.memory_space<vmem>> -> memref<1x128xi32, #tpu.memory_space<vmem>>
      %dma_start3A_86 = tpu.memref_squeeze %dma_start3A_85 : memref<1x128xi32, #tpu.memory_space<vmem>> -> memref<128xi32, #tpu.memory_space<vmem>>
      %dma_start3A_87 = arith.constant 0 : i32
      %dma_start3A_88 = tpu.memref_slice %arg11[%dma_start3A_87] : memref<8192xf32, #tpu.memory_space<vmem_shared>> -> memref<8192xf32, #tpu.memory_space<vmem_shared>>
      tpu.enqueue_indirect_dma source(%arg10 : memref<128xf32, #tpu.memory_space<vmem>>) target(%dma_start3A_88 : memref<8192xf32, #tpu.memory_space<vmem_shared>>) offsets(%dma_start3A_86 : memref<128xi32, #tpu.memory_space<vmem>>) semaphore(%run_scoped3A_83 : memref<!tpu.dma_semaphore, #tpu.memory_space<semaphore_mem>>) {add = true}
      %dma_wait3A_89 = arith.constant 0 : i32
      %dma_wait3A_90 = tpu.memref_slice %arg8[%run_scoped3A, %dma_wait3A_89] : memref<4x128xi32, #tpu.memory_space<vmem>> -> memref<1x128xi32, #tpu.memory_space<vmem>>
      %dma_wait3A_91 = tpu.memref_squeeze %dma_wait3A_90 : memref<1x128xi32, #tpu.memory_space<vmem>> -> memref<128xi32, #tpu.memory_space<vmem>>
      %dma_wait3A_92 = arith.constant 0 : i32
      %dma_wait3A_93 = tpu.memref_slice %arg11[%dma_wait3A_92] : memref<8192xf32, #tpu.memory_space<vmem_shared>> -> memref<8192xf32, #tpu.memory_space<vmem_shared>>
      tpu.wait_indirect_dma semaphore(%run_scoped3A_83 : memref<!tpu.dma_semaphore, #tpu.memory_space<semaphore_mem>>) src(%arg10 : memref<128xf32, #tpu.memory_space<vmem>>) dst(%dma_wait3A_93 : memref<8192xf32, #tpu.memory_space<vmem_shared>>)
      tpu.yield
    }) : () -> ()
    %run_scoped3A_75 = arith.constant 1 : i32
    "tpu.region"() ({
      %run_scoped3A_83 = tpu.sem_alloc : memref<!tpu.dma_semaphore, #tpu.memory_space<semaphore_mem>>
      %dma_start3A_84 = arith.constant 0 : i32
      %dma_start3A_85 = tpu.memref_slice %arg8[%run_scoped3A_75, %dma_start3A_84] : memref<4x128xi32, #tpu.memory_space<vmem>> -> memref<1x128xi32, #tpu.memory_space<vmem>>
      %dma_start3A_86 = tpu.memref_squeeze %dma_start3A_85 : memref<1x128xi32, #tpu.memory_space<vmem>> -> memref<128xi32, #tpu.memory_space<vmem>>
      %dma_start3A_87 = arith.constant 0 : i32
      %dma_start3A_88 = tpu.memref_slice %arg11[%dma_start3A_87] : memref<8192xf32, #tpu.memory_space<vmem_shared>> -> memref<8192xf32, #tpu.memory_space<vmem_shared>>
      tpu.enqueue_indirect_dma source(%arg10 : memref<128xf32, #tpu.memory_space<vmem>>) target(%dma_start3A_88 : memref<8192xf32, #tpu.memory_space<vmem_shared>>) offsets(%dma_start3A_86 : memref<128xi32, #tpu.memory_space<vmem>>) semaphore(%run_scoped3A_83 : memref<!tpu.dma_semaphore, #tpu.memory_space<semaphore_mem>>) {add = true}
      %dma_wait3A_89 = arith.constant 0 : i32
      %dma_wait3A_90 = tpu.memref_slice %arg8[%run_scoped3A_75, %dma_wait3A_89] : memref<4x128xi32, #tpu.memory_space<vmem>> -> memref<1x128xi32, #tpu.memory_space<vmem>>
      %dma_wait3A_91 = tpu.memref_squeeze %dma_wait3A_90 : memref<1x128xi32, #tpu.memory_space<vmem>> -> memref<128xi32, #tpu.memory_space<vmem>>
      %dma_wait3A_92 = arith.constant 0 : i32
      %dma_wait3A_93 = tpu.memref_slice %arg11[%dma_wait3A_92] : memref<8192xf32, #tpu.memory_space<vmem_shared>> -> memref<8192xf32, #tpu.memory_space<vmem_shared>>
      tpu.wait_indirect_dma semaphore(%run_scoped3A_83 : memref<!tpu.dma_semaphore, #tpu.memory_space<semaphore_mem>>) src(%arg10 : memref<128xf32, #tpu.memory_space<vmem>>) dst(%dma_wait3A_93 : memref<8192xf32, #tpu.memory_space<vmem_shared>>)
      tpu.yield
    }) : () -> ()
    %run_scoped3A_76 = arith.constant 2 : i32
    "tpu.region"() ({
      %run_scoped3A_83 = tpu.sem_alloc : memref<!tpu.dma_semaphore, #tpu.memory_space<semaphore_mem>>
      %dma_start3A_84 = arith.constant 0 : i32
      %dma_start3A_85 = tpu.memref_slice %arg8[%run_scoped3A_76, %dma_start3A_84] : memref<4x128xi32, #tpu.memory_space<vmem>> -> memref<1x128xi32, #tpu.memory_space<vmem>>
      %dma_start3A_86 = tpu.memref_squeeze %dma_start3A_85 : memref<1x128xi32, #tpu.memory_space<vmem>> -> memref<128xi32, #tpu.memory_space<vmem>>
      %dma_start3A_87 = arith.constant 0 : i32
      %dma_start3A_88 = tpu.memref_slice %arg11[%dma_start3A_87] : memref<8192xf32, #tpu.memory_space<vmem_shared>> -> memref<8192xf32, #tpu.memory_space<vmem_shared>>
      tpu.enqueue_indirect_dma source(%arg10 : memref<128xf32, #tpu.memory_space<vmem>>) target(%dma_start3A_88 : memref<8192xf32, #tpu.memory_space<vmem_shared>>) offsets(%dma_start3A_86 : memref<128xi32, #tpu.memory_space<vmem>>) semaphore(%run_scoped3A_83 : memref<!tpu.dma_semaphore, #tpu.memory_space<semaphore_mem>>) {add = true}
      %dma_wait3A_89 = arith.constant 0 : i32
      %dma_wait3A_90 = tpu.memref_slice %arg8[%run_scoped3A_76, %dma_wait3A_89] : memref<4x128xi32, #tpu.memory_space<vmem>> -> memref<1x128xi32, #tpu.memory_space<vmem>>
      %dma_wait3A_91 = tpu.memref_squeeze %dma_wait3A_90 : memref<1x128xi32, #tpu.memory_space<vmem>> -> memref<128xi32, #tpu.memory_space<vmem>>
      %dma_wait3A_92 = arith.constant 0 : i32
      %dma_wait3A_93 = tpu.memref_slice %arg11[%dma_wait3A_92] : memref<8192xf32, #tpu.memory_space<vmem_shared>> -> memref<8192xf32, #tpu.memory_space<vmem_shared>>
      tpu.wait_indirect_dma semaphore(%run_scoped3A_83 : memref<!tpu.dma_semaphore, #tpu.memory_space<semaphore_mem>>) src(%arg10 : memref<128xf32, #tpu.memory_space<vmem>>) dst(%dma_wait3A_93 : memref<8192xf32, #tpu.memory_space<vmem_shared>>)
      tpu.yield
    }) : () -> ()
    %run_scoped3A_77 = arith.constant 3 : i32
    "tpu.region"() ({
      %run_scoped3A_83 = tpu.sem_alloc : memref<!tpu.dma_semaphore, #tpu.memory_space<semaphore_mem>>
      %dma_start3A_84 = arith.constant 0 : i32
      %dma_start3A_85 = tpu.memref_slice %arg8[%run_scoped3A_77, %dma_start3A_84] : memref<4x128xi32, #tpu.memory_space<vmem>> -> memref<1x128xi32, #tpu.memory_space<vmem>>
      %dma_start3A_86 = tpu.memref_squeeze %dma_start3A_85 : memref<1x128xi32, #tpu.memory_space<vmem>> -> memref<128xi32, #tpu.memory_space<vmem>>
      %dma_start3A_87 = arith.constant 0 : i32
      %dma_start3A_88 = tpu.memref_slice %arg11[%dma_start3A_87] : memref<8192xf32, #tpu.memory_space<vmem_shared>> -> memref<8192xf32, #tpu.memory_space<vmem_shared>>
      tpu.enqueue_indirect_dma source(%arg10 : memref<128xf32, #tpu.memory_space<vmem>>) target(%dma_start3A_88 : memref<8192xf32, #tpu.memory_space<vmem_shared>>) offsets(%dma_start3A_86 : memref<128xi32, #tpu.memory_space<vmem>>) semaphore(%run_scoped3A_83 : memref<!tpu.dma_semaphore, #tpu.memory_space<semaphore_mem>>) {add = true}
      %dma_wait3A_89 = arith.constant 0 : i32
      %dma_wait3A_90 = tpu.memref_slice %arg8[%run_scoped3A_77, %dma_wait3A_89] : memref<4x128xi32, #tpu.memory_space<vmem>> -> memref<1x128xi32, #tpu.memory_space<vmem>>
      %dma_wait3A_91 = tpu.memref_squeeze %dma_wait3A_90 : memref<1x128xi32, #tpu.memory_space<vmem>> -> memref<128xi32, #tpu.memory_space<vmem>>
      %dma_wait3A_92 = arith.constant 0 : i32
      %dma_wait3A_93 = tpu.memref_slice %arg11[%dma_wait3A_92] : memref<8192xf32, #tpu.memory_space<vmem_shared>> -> memref<8192xf32, #tpu.memory_space<vmem_shared>>
      tpu.wait_indirect_dma semaphore(%run_scoped3A_83 : memref<!tpu.dma_semaphore, #tpu.memory_space<semaphore_mem>>) src(%arg10 : memref<128xf32, #tpu.memory_space<vmem>>) dst(%dma_wait3A_93 : memref<8192xf32, #tpu.memory_space<vmem_shared>>)
      tpu.yield
    }) : () -> ()
    %barrier3A_78 = arith.constant 0 : index
    tpu.barrier barrier_id(%barrier3A_78)
    %mul3A_79 = arith.constant 512 : i32
    %mul3A_80 = arith.muli %arg1, %mul3A_79 : i32
    %mul3A_81 = arith.constant 512 : i32
    %mul3A_82 = arith.muli %arg1, %mul3A_81 : i32
    "tpu.region"() ({
      %run_scoped3A_83 = tpu.sem_alloc : memref<!tpu.dma_semaphore, #tpu.memory_space<semaphore_mem>>
      %dma_start3A_84 = tpu.memref_slice %arg7[%arg0, %mul3A_82] : memref<2x8192xf32, #tpu.memory_space<hbm>> -> memref<1x512xf32, #tpu.memory_space<hbm>>
      %dma_start3A_85 = tpu.memref_squeeze %dma_start3A_84 : memref<1x512xf32, #tpu.memory_space<hbm>> -> memref<512xf32, #tpu.memory_space<hbm>>
      %dma_start3A_86 = tpu.memref_slice %arg11[%mul3A_80] : memref<8192xf32, #tpu.memory_space<vmem_shared>> -> memref<512xf32, #tpu.memory_space<vmem_shared>>
      tpu.enqueue_dma source(%dma_start3A_86 : memref<512xf32, #tpu.memory_space<vmem_shared>>) target(%dma_start3A_85 : memref<512xf32, #tpu.memory_space<hbm>>) target_semaphore(%run_scoped3A_83 : memref<!tpu.dma_semaphore, #tpu.memory_space<semaphore_mem>>)
      %dma_wait3A_87 = tpu.memref_slice %arg7[%arg0, %mul3A_82] : memref<2x8192xf32, #tpu.memory_space<hbm>> -> memref<1x512xf32, #tpu.memory_space<hbm>>
      %dma_wait3A_88 = tpu.memref_squeeze %dma_wait3A_87 : memref<1x512xf32, #tpu.memory_space<hbm>> -> memref<512xf32, #tpu.memory_space<hbm>>
      %dma_wait3A_89 = tpu.memref_slice %arg11[%mul3A_80] : memref<8192xf32, #tpu.memory_space<vmem_shared>> -> memref<512xf32, #tpu.memory_space<vmem_shared>>
      tpu.wait_dma2 semaphore(%run_scoped3A_83 : memref<!tpu.dma_semaphore, #tpu.memory_space<semaphore_mem>>) src(%dma_wait3A_89 : memref<512xf32, #tpu.memory_space<vmem_shared>>) dst(%dma_wait3A_88 : memref<512xf32, #tpu.memory_space<hbm>>)
      tpu.yield
    }) : () -> ()
    return
  }
}

module attributes {stable_mosaic.version = 14 : i64} {
  func.func @_argmin_body(%arg0: i32, %arg1: i32, %arg2: memref<1024x1xf32, #tpu.memory_space<vmem>>, %arg3: memref<1x2816xf32, #tpu.memory_space<vmem>>, %arg4: memref<1024x256xf32, #tpu.memory_space<vmem>>, %arg5: memref<2816x256xf32, #tpu.memory_space<vmem>>, %arg6: memref<1024x1xi32, #tpu.memory_space<vmem>>, %arg7: memref<1024x1xf32, #tpu.memory_space<vmem>>, %arg8: memref<1024x1xf32, #tpu.memory_space<vmem>>, %arg9: memref<1024x1xf32, #tpu.memory_space<vmem>>, %arg10: memref<1024x1xf32, #tpu.memory_space<vmem>>, %arg11: memref<1024x1xi32, #tpu.memory_space<vmem>>, %arg12: memref<1024x1xi32, #tpu.memory_space<vmem>>, %arg13: memref<1024x1xi32, #tpu.memory_space<vmem>>) attributes {dimension_semantics = [#tpu.dimension_semantics<arbitrary>, #tpu.dimension_semantics<arbitrary>], iteration_bounds = array<i64: 16, 3>, scalar_prefetch = 0 : i64, scratch_operands = 6 : i64, tpu.core_type = #tpu.core_type<tc>, window_params = [{transform_indices = @transform_0, window_bounds = array<i64: 1024, 1>}, {transform_indices = @transform_1, window_bounds = array<i64: 1, 2816>}, {transform_indices = @transform_2, window_bounds = array<i64: 1024, 256>}, {transform_indices = @transform_3, window_bounds = array<i64: 2816, 256>}, {transform_indices = @transform_4, window_bounds = array<i64: 1024, 1>}, {transform_indices = @transform_5, window_bounds = array<i64: 1024, 1>}]} {
    %get3A = arith.constant 0 : index
    %get3A_0 = arith.constant 0 : index
    %get3A_1 = vector.load %arg4[%get3A, %get3A_0] : memref<1024x256xf32, #tpu.memory_space<vmem>>, vector<1024x256xf32>
    %get3A_2 = arith.constant 0 : index
    %get3A_3 = arith.constant 0 : index
    %get3A_4 = vector.load %arg5[%get3A_2, %get3A_3] : memref<2816x256xf32, #tpu.memory_space<vmem>>, vector<2816x256xf32>
    %convert_element_type3A = arith.truncf %get3A_1 : vector<1024x256xf32> to vector<1024x256xbf16>
    %convert_element_type3A_5 = arith.truncf %get3A_4 : vector<2816x256xf32> to vector<2816x256xbf16>
    %dot_general3A = arith.constant dense<0.000000e+00> : vector<1024x2816xf32>
    %dot_general3A_6 = tpu.matmul %convert_element_type3A, %convert_element_type3A_5, %dot_general3A {dimension_numbers = #tpu.dot_dimension_numbers<[1], [1], [0], [0], [0, 0, 1, 0], [], []>, transpose_lhs_hint = false} : vector<1024x256xbf16>, vector<2816x256xbf16>, vector<1024x2816xf32> -> vector<1024x2816xf32>
    %get3A_7 = arith.constant 0 : index
    %get3A_8 = arith.constant 0 : index
    %get3A_9 = vector.load %arg2[%get3A_7, %get3A_8] : memref<1024x1xf32, #tpu.memory_space<vmem>>, vector<1024x1xf32>
    %get3A_10 = arith.constant 0 : index
    %get3A_11 = arith.constant 0 : index
    %get3A_12 = vector.load %arg3[%get3A_10, %get3A_11] : memref<1x2816xf32, #tpu.memory_space<vmem>>, vector<1x2816xf32>
    %add3A = vector.broadcast %get3A_9 : vector<1024x1xf32> to vector<1024x2816xf32>
    %add3A_13 = vector.broadcast %get3A_12 : vector<1x2816xf32> to vector<1024x2816xf32>
    %add3A_14 = arith.addf %add3A, %add3A_13 : vector<1024x2816xf32>
    %mul3A = arith.constant 2.000000e+00 : f32
    %mul3A_15 = vector.broadcast %mul3A : f32 to vector<1024x2816xf32>
    %mul3A_16 = arith.mulf %dot_general3A_6, %mul3A_15 : vector<1024x2816xf32>
    %sub3A = arith.subf %add3A_14, %mul3A_16 : vector<1024x2816xf32>
    %iota3A = tpu.iota {dimensions = array<i32: 1>} : vector<1024x2816xi32>
    %reduce_min3A = arith.constant dense<0x7F800000> : vector<1024xf32>
    %reduce_min3A_17 = vector.multi_reduction <minimumf>, %sub3A, %reduce_min3A [1] : vector<1024x2816xf32> to vector<1024xf32>
    %broadcast_in_dim3A = vector.shape_cast %reduce_min3A_17 : vector<1024xf32> to vector<1024x1xf32>
    %eq3A = vector.broadcast %broadcast_in_dim3A : vector<1024x1xf32> to vector<1024x2816xf32>
    %eq3A_18 = arith.cmpf oeq, %sub3A, %eq3A : vector<1024x2816xf32>
    %jit3A = arith.constant 1073741824 : i32
    %broadcast_in_dim3A_19 = vector.broadcast %jit3A : i32 to vector<1024x2816xi32>
    %select_n3A = arith.select %eq3A_18, %iota3A, %broadcast_in_dim3A_19 : vector<1024x2816xi1>, vector<1024x2816xi32>
    %reduce_min3A_20 = arith.constant dense<2147483647> : vector<1024xi32>
    %reduce_min3A_21 = vector.multi_reduction <minsi>, %select_n3A, %reduce_min3A_20 [1] : vector<1024x2816xi32> to vector<1024xi32>
    %broadcast_in_dim3A_22 = vector.shape_cast %reduce_min3A_21 : vector<1024xi32> to vector<1024x1xi32>
    %mul3A_23 = arith.constant 2736 : i32
    %mul3A_24 = arith.muli %arg1, %mul3A_23 : i32
    %add3A_25 = vector.broadcast %mul3A_24 : i32 to vector<1024x1xi32>
    %add3A_26 = arith.addi %broadcast_in_dim3A_22, %add3A_25 : vector<1024x1xi32>
    %eq3A_27 = arith.constant 0 : i32
    %eq3A_28 = arith.cmpi eq, %arg1, %eq3A_27 : i32
    %convert_element_type3A_29 = arith.extui %eq3A_28 : i1 to i32
    %cond3A = arith.constant 0 : i32
    %cond3A_30 = arith.cmpi ne, %convert_element_type3A_29, %cond3A : i32
    scf.if %cond3A_30 {
      %broadcast_in_dim3A_51 = arith.constant 0x7F800000 : f32
      %broadcast_in_dim3A_52 = vector.broadcast %broadcast_in_dim3A_51 : f32 to vector<1024x1xf32>
      %swap3A = arith.constant 0 : index
      %swap3A_53 = arith.constant 0 : index
      %swap3A_54 = vector.load %arg8[%swap3A, %swap3A_53] : memref<1024x1xf32, #tpu.memory_space<vmem>>, vector<1024x1xf32>
      tpu.vector_store %arg8[%swap3A, %swap3A_53], %broadcast_in_dim3A_52 {strides = array<i32>} : memref<1024x1xf32, #tpu.memory_space<vmem>>, vector<1024x1xf32>,
      %broadcast_in_dim3A_55 = arith.constant 0 : i32
      %broadcast_in_dim3A_56 = vector.broadcast %broadcast_in_dim3A_55 : i32 to vector<1024x1xi32>
      %swap3A_57 = arith.constant 0 : index
      %swap3A_58 = arith.constant 0 : index
      %swap3A_59 = vector.load %arg11[%swap3A_57, %swap3A_58] : memref<1024x1xi32, #tpu.memory_space<vmem>>, vector<1024x1xi32>
      tpu.vector_store %arg11[%swap3A_57, %swap3A_58], %broadcast_in_dim3A_56 {strides = array<i32>} : memref<1024x1xi32, #tpu.memory_space<vmem>>, vector<1024x1xi32>,
      %broadcast_in_dim3A_60 = arith.constant 0x7F800000 : f32
      %broadcast_in_dim3A_61 = vector.broadcast %broadcast_in_dim3A_60 : f32 to vector<1024x1xf32>
      %swap3A_62 = arith.constant 0 : index
      %swap3A_63 = arith.constant 0 : index
      %swap3A_64 = vector.load %arg9[%swap3A_62, %swap3A_63] : memref<1024x1xf32, #tpu.memory_space<vmem>>, vector<1024x1xf32>
      tpu.vector_store %arg9[%swap3A_62, %swap3A_63], %broadcast_in_dim3A_61 {strides = array<i32>} : memref<1024x1xf32, #tpu.memory_space<vmem>>, vector<1024x1xf32>,
      %broadcast_in_dim3A_65 = arith.constant 0 : i32
      %broadcast_in_dim3A_66 = vector.broadcast %broadcast_in_dim3A_65 : i32 to vector<1024x1xi32>
      %swap3A_67 = arith.constant 0 : index
      %swap3A_68 = arith.constant 0 : index
      %swap3A_69 = vector.load %arg12[%swap3A_67, %swap3A_68] : memref<1024x1xi32, #tpu.memory_space<vmem>>, vector<1024x1xi32>
      tpu.vector_store %arg12[%swap3A_67, %swap3A_68], %broadcast_in_dim3A_66 {strides = array<i32>} : memref<1024x1xi32, #tpu.memory_space<vmem>>, vector<1024x1xi32>,
      %broadcast_in_dim3A_70 = arith.constant 0x7F800000 : f32
      %broadcast_in_dim3A_71 = vector.broadcast %broadcast_in_dim3A_70 : f32 to vector<1024x1xf32>
      %swap3A_72 = arith.constant 0 : index
      %swap3A_73 = arith.constant 0 : index
      %swap3A_74 = vector.load %arg10[%swap3A_72, %swap3A_73] : memref<1024x1xf32, #tpu.memory_space<vmem>>, vector<1024x1xf32>
      tpu.vector_store %arg10[%swap3A_72, %swap3A_73], %broadcast_in_dim3A_71 {strides = array<i32>} : memref<1024x1xf32, #tpu.memory_space<vmem>>, vector<1024x1xf32>,
      %broadcast_in_dim3A_75 = arith.constant 0 : i32
      %broadcast_in_dim3A_76 = vector.broadcast %broadcast_in_dim3A_75 : i32 to vector<1024x1xi32>
      %swap3A_77 = arith.constant 0 : index
      %swap3A_78 = arith.constant 0 : index
      %swap3A_79 = vector.load %arg13[%swap3A_77, %swap3A_78] : memref<1024x1xi32, #tpu.memory_space<vmem>>, vector<1024x1xi32>
      tpu.vector_store %arg13[%swap3A_77, %swap3A_78], %broadcast_in_dim3A_76 {strides = array<i32>} : memref<1024x1xi32, #tpu.memory_space<vmem>>, vector<1024x1xi32>,
    } else {
    }
    %eq3A_31 = arith.constant 0 : i32
    %eq3A_32 = arith.cmpi eq, %arg1, %eq3A_31 : i32
    %convert_element_type3A_33 = arith.extui %eq3A_32 : i1 to i32
    %cond3A_34 = arith.constant 0 : i32
    %cond3A_35 = arith.cmpi ne, %convert_element_type3A_33, %cond3A_34 : i32
    scf.if %cond3A_35 {
      %get3A_51 = arith.constant 0 : index
      %get3A_52 = arith.constant 0 : index
      %get3A_53 = vector.load %arg8[%get3A_51, %get3A_52] : memref<1024x1xf32, #tpu.memory_space<vmem>>, vector<1024x1xf32>
      %lt3A = arith.cmpf olt, %broadcast_in_dim3A, %get3A_53 : vector<1024x1xf32>
      %get3A_54 = arith.constant 0 : index
      %get3A_55 = arith.constant 0 : index
      %get3A_56 = vector.load %arg11[%get3A_54, %get3A_55] : memref<1024x1xi32, #tpu.memory_space<vmem>>, vector<1024x1xi32>
      %select_n3A_57 = arith.select %lt3A, %add3A_26, %get3A_56 : vector<1024x1xi1>, vector<1024x1xi32>
      %swap3A = arith.constant 0 : index
      %swap3A_58 = arith.constant 0 : index
      %swap3A_59 = vector.load %arg11[%swap3A, %swap3A_58] : memref<1024x1xi32, #tpu.memory_space<vmem>>, vector<1024x1xi32>
      tpu.vector_store %arg11[%swap3A, %swap3A_58], %select_n3A_57 {strides = array<i32>} : memref<1024x1xi32, #tpu.memory_space<vmem>>, vector<1024x1xi32>,
      %get3A_60 = arith.constant 0 : index
      %get3A_61 = arith.constant 0 : index
      %get3A_62 = vector.load %arg8[%get3A_60, %get3A_61] : memref<1024x1xf32, #tpu.memory_space<vmem>>, vector<1024x1xf32>
      %select_n3A_63 = arith.select %lt3A, %broadcast_in_dim3A, %get3A_62 : vector<1024x1xi1>, vector<1024x1xf32>
      %swap3A_64 = arith.constant 0 : index
      %swap3A_65 = arith.constant 0 : index
      %swap3A_66 = vector.load %arg8[%swap3A_64, %swap3A_65] : memref<1024x1xf32, #tpu.memory_space<vmem>>, vector<1024x1xf32>
      tpu.vector_store %arg8[%swap3A_64, %swap3A_65], %select_n3A_63 {strides = array<i32>} : memref<1024x1xf32, #tpu.memory_space<vmem>>, vector<1024x1xf32>,
    } else {
    }
    %eq3A_36 = arith.constant 1 : i32
    %eq3A_37 = arith.cmpi eq, %arg1, %eq3A_36 : i32
    %convert_element_type3A_38 = arith.extui %eq3A_37 : i1 to i32
    %cond3A_39 = arith.constant 0 : i32
    %cond3A_40 = arith.cmpi ne, %convert_element_type3A_38, %cond3A_39 : i32
    scf.if %cond3A_40 {
      %get3A_51 = arith.constant 0 : index
      %get3A_52 = arith.constant 0 : index
      %get3A_53 = vector.load %arg9[%get3A_51, %get3A_52] : memref<1024x1xf32, #tpu.memory_space<vmem>>, vector<1024x1xf32>
      %lt3A = arith.cmpf olt, %broadcast_in_dim3A, %get3A_53 : vector<1024x1xf32>
      %get3A_54 = arith.constant 0 : index
      %get3A_55 = arith.constant 0 : index
      %get3A_56 = vector.load %arg12[%get3A_54, %get3A_55] : memref<1024x1xi32, #tpu.memory_space<vmem>>, vector<1024x1xi32>
      %select_n3A_57 = arith.select %lt3A, %add3A_26, %get3A_56 : vector<1024x1xi1>, vector<1024x1xi32>
      %swap3A = arith.constant 0 : index
      %swap3A_58 = arith.constant 0 : index
      %swap3A_59 = vector.load %arg12[%swap3A, %swap3A_58] : memref<1024x1xi32, #tpu.memory_space<vmem>>, vector<1024x1xi32>
      tpu.vector_store %arg12[%swap3A, %swap3A_58], %select_n3A_57 {strides = array<i32>} : memref<1024x1xi32, #tpu.memory_space<vmem>>, vector<1024x1xi32>,
      %get3A_60 = arith.constant 0 : index
      %get3A_61 = arith.constant 0 : index
      %get3A_62 = vector.load %arg9[%get3A_60, %get3A_61] : memref<1024x1xf32, #tpu.memory_space<vmem>>, vector<1024x1xf32>
      %select_n3A_63 = arith.select %lt3A, %broadcast_in_dim3A, %get3A_62 : vector<1024x1xi1>, vector<1024x1xf32>
      %swap3A_64 = arith.constant 0 : index
      %swap3A_65 = arith.constant 0 : index
      %swap3A_66 = vector.load %arg9[%swap3A_64, %swap3A_65] : memref<1024x1xf32, #tpu.memory_space<vmem>>, vector<1024x1xf32>
      tpu.vector_store %arg9[%swap3A_64, %swap3A_65], %select_n3A_63 {strides = array<i32>} : memref<1024x1xf32, #tpu.memory_space<vmem>>, vector<1024x1xf32>,
    } else {
    }
    %eq3A_41 = arith.constant 2 : i32
    %eq3A_42 = arith.cmpi eq, %arg1, %eq3A_41 : i32
    %convert_element_type3A_43 = arith.extui %eq3A_42 : i1 to i32
    %cond3A_44 = arith.constant 0 : i32
    %cond3A_45 = arith.cmpi ne, %convert_element_type3A_43, %cond3A_44 : i32
    scf.if %cond3A_45 {
      %get3A_51 = arith.constant 0 : index
      %get3A_52 = arith.constant 0 : index
      %get3A_53 = vector.load %arg10[%get3A_51, %get3A_52] : memref<1024x1xf32, #tpu.memory_space<vmem>>, vector<1024x1xf32>
      %lt3A = arith.cmpf olt, %broadcast_in_dim3A, %get3A_53 : vector<1024x1xf32>
      %get3A_54 = arith.constant 0 : index
      %get3A_55 = arith.constant 0 : index
      %get3A_56 = vector.load %arg13[%get3A_54, %get3A_55] : memref<1024x1xi32, #tpu.memory_space<vmem>>, vector<1024x1xi32>
      %select_n3A_57 = arith.select %lt3A, %add3A_26, %get3A_56 : vector<1024x1xi1>, vector<1024x1xi32>
      %swap3A = arith.constant 0 : index
      %swap3A_58 = arith.constant 0 : index
      %swap3A_59 = vector.load %arg13[%swap3A, %swap3A_58] : memref<1024x1xi32, #tpu.memory_space<vmem>>, vector<1024x1xi32>
      tpu.vector_store %arg13[%swap3A, %swap3A_58], %select_n3A_57 {strides = array<i32>} : memref<1024x1xi32, #tpu.memory_space<vmem>>, vector<1024x1xi32>,
      %get3A_60 = arith.constant 0 : index
      %get3A_61 = arith.constant 0 : index
      %get3A_62 = vector.load %arg10[%get3A_60, %get3A_61] : memref<1024x1xf32, #tpu.memory_space<vmem>>, vector<1024x1xf32>
      %select_n3A_63 = arith.select %lt3A, %broadcast_in_dim3A, %get3A_62 : vector<1024x1xi1>, vector<1024x1xf32>
      %swap3A_64 = arith.constant 0 : index
      %swap3A_65 = arith.constant 0 : index
      %swap3A_66 = vector.load %arg10[%swap3A_64, %swap3A_65] : memref<1024x1xf32, #tpu.memory_space<vmem>>, vector<1024x1xf32>
      tpu.vector_store %arg10[%swap3A_64, %swap3A_65], %select_n3A_63 {strides = array<i32>} : memref<1024x1xf32, #tpu.memory_space<vmem>>, vector<1024x1xf32>,
    } else {
    }
    %eq3A_46 = arith.constant 2 : i32
    %eq3A_47 = arith.cmpi eq, %arg1, %eq3A_46 : i32
    %convert_element_type3A_48 = arith.extui %eq3A_47 : i1 to i32
    %cond3A_49 = arith.constant 0 : i32
    %cond3A_50 = arith.cmpi ne, %convert_element_type3A_48, %cond3A_49 : i32
    scf.if %cond3A_50 {
      %get3A_51 = arith.constant 0 : index
      %get3A_52 = arith.constant 0 : index
      %get3A_53 = vector.load %arg8[%get3A_51, %get3A_52] : memref<1024x1xf32, #tpu.memory_space<vmem>>, vector<1024x1xf32>
      %convert_element_type3A_54 = arith.truncf %get3A_53 : vector<1024x1xf32> to vector<1024x1xbf16>
      %convert_element_type3A_55 = arith.extf %convert_element_type3A_54 : vector<1024x1xbf16> to vector<1024x1xf32>
      %get3A_56 = arith.constant 0 : index
      %get3A_57 = arith.constant 0 : index
      %get3A_58 = vector.load %arg11[%get3A_56, %get3A_57] : memref<1024x1xi32, #tpu.memory_space<vmem>>, vector<1024x1xi32>
      %get3A_59 = arith.constant 0 : index
      %get3A_60 = arith.constant 0 : index
      %get3A_61 = vector.load %arg8[%get3A_59, %get3A_60] : memref<1024x1xf32, #tpu.memory_space<vmem>>, vector<1024x1xf32>
      %get3A_62 = arith.constant 0 : index
      %get3A_63 = arith.constant 0 : index
      %get3A_64 = vector.load %arg9[%get3A_62, %get3A_63] : memref<1024x1xf32, #tpu.memory_space<vmem>>, vector<1024x1xf32>
      %lt3A = arith.cmpf olt, %get3A_64, %convert_element_type3A_55 : vector<1024x1xf32>
      %convert_element_type3A_65 = arith.truncf %get3A_64 : vector<1024x1xf32> to vector<1024x1xbf16>
      %convert_element_type3A_66 = arith.extf %convert_element_type3A_65 : vector<1024x1xbf16> to vector<1024x1xf32>
      %select_n3A_67 = arith.select %lt3A, %convert_element_type3A_66, %convert_element_type3A_55 : vector<1024x1xi1>, vector<1024x1xf32>
      %get3A_68 = arith.constant 0 : index
      %get3A_69 = arith.constant 0 : index
      %get3A_70 = vector.load %arg12[%get3A_68, %get3A_69] : memref<1024x1xi32, #tpu.memory_space<vmem>>, vector<1024x1xi32>
      %select_n3A_71 = arith.select %lt3A, %get3A_70, %get3A_58 : vector<1024x1xi1>, vector<1024x1xi32>
      %select_n3A_72 = arith.select %lt3A, %get3A_64, %get3A_61 : vector<1024x1xi1>, vector<1024x1xf32>
      %get3A_73 = arith.constant 0 : index
      %get3A_74 = arith.constant 0 : index
      %get3A_75 = vector.load %arg10[%get3A_73, %get3A_74] : memref<1024x1xf32, #tpu.memory_space<vmem>>, vector<1024x1xf32>
      %lt3A_76 = arith.cmpf olt, %get3A_75, %select_n3A_67 : vector<1024x1xf32>
      %get3A_77 = arith.constant 0 : index
      %get3A_78 = arith.constant 0 : index
      %get3A_79 = vector.load %arg13[%get3A_77, %get3A_78] : memref<1024x1xi32, #tpu.memory_space<vmem>>, vector<1024x1xi32>
      %select_n3A_80 = arith.select %lt3A_76, %get3A_79, %select_n3A_71 : vector<1024x1xi1>, vector<1024x1xi32>
      %select_n3A_81 = arith.select %lt3A_76, %get3A_75, %select_n3A_72 : vector<1024x1xi1>, vector<1024x1xf32>
      %swap3A = arith.constant 0 : index
      %swap3A_82 = arith.constant 0 : index
      %swap3A_83 = vector.load %arg6[%swap3A, %swap3A_82] : memref<1024x1xi32, #tpu.memory_space<vmem>>, vector<1024x1xi32>
      tpu.vector_store %arg6[%swap3A, %swap3A_82], %select_n3A_80 {strides = array<i32>} : memref<1024x1xi32, #tpu.memory_space<vmem>>, vector<1024x1xi32>,
      %swap3A_84 = arith.constant 0 : index
      %swap3A_85 = arith.constant 0 : index
      %swap3A_86 = vector.load %arg7[%swap3A_84, %swap3A_85] : memref<1024x1xf32, #tpu.memory_space<vmem>>, vector<1024x1xf32>
      tpu.vector_store %arg7[%swap3A_84, %swap3A_85], %select_n3A_81 {strides = array<i32>} : memref<1024x1xf32, #tpu.memory_space<vmem>>, vector<1024x1xf32>,
    } else {
    }
    return
  }
  func.func @transform_0(%arg0: i32, %arg1: i32) -> (i32, i32) {
    %c0_i32 = arith.constant 0 : i32
    %c0_i32_0 = arith.constant 0 : i32
    return %arg0, %c0_i32 : i32, i32
  }
  func.func @transform_1(%arg0: i32, %arg1: i32) -> (i32, i32) {
    %c0_i32 = arith.constant 0 : i32
    %c0_i32_0 = arith.constant 0 : i32
    return %c0_i32, %arg1 : i32, i32
  }
  func.func @transform_2(%arg0: i32, %arg1: i32) -> (i32, i32) {
    %c0_i32 = arith.constant 0 : i32
    %c0_i32_0 = arith.constant 0 : i32
    return %arg0, %c0_i32 : i32, i32
  }
  func.func @transform_3(%arg0: i32, %arg1: i32) -> (i32, i32) {
    %c0_i32 = arith.constant 0 : i32
    %c0_i32_0 = arith.constant 0 : i32
    return %arg1, %c0_i32 : i32, i32
  }
  func.func @transform_4(%arg0: i32, %arg1: i32) -> (i32, i32) {
    %c0_i32 = arith.constant 0 : i32
    %c0_i32_0 = arith.constant 0 : i32
    return %arg0, %c0_i32 : i32, i32
  }
  func.func @transform_5(%arg0: i32, %arg1: i32) -> (i32, i32) {
    %c0_i32 = arith.constant 0 : i32
    %c0_i32_0 = arith.constant 0 : i32
    return %arg0, %c0_i32 : i32, i32
  }
}

module attributes {stable_mosaic.version = 14 : i64} {
  func.func @_stats_body(%arg0: memref<2x8192xf32, #tpu.memory_space<vmem>>, %arg1: memref<128x128xf32, #tpu.memory_space<vmem>>, %arg2: memref<1x1xf32, #tpu.memory_space<vmem>>, %arg3: memref<1x1xf32, #tpu.memory_space<vmem>>, %arg4: memref<1x1xf32, #tpu.memory_space<vmem>>, %arg5: memref<1x1xf32, #tpu.memory_space<vmem>>) attributes {dimension_semantics = [], scalar_prefetch = 0 : i64, scratch_operands = 0 : i64, tpu.core_type = #tpu.core_type<tc>} {
    %get3A = arith.constant 0 : index
    %get3A_0 = arith.constant 0 : index
    %get3A_1 = vector.load %arg0[%get3A, %get3A_0] : memref<2x8192xf32, #tpu.memory_space<vmem>>, vector<2x8192xf32>
    %slice3A = vector.extract_strided_slice %get3A_1 {offsets = [0, 0], sizes = [1, 8192], strides = [1, 1]} : vector<2x8192xf32> to vector<1x8192xf32>
    %slice3A_2 = vector.extract_strided_slice %get3A_1 {offsets = [1, 0], sizes = [1, 8192], strides = [1, 1]} : vector<2x8192xf32> to vector<1x8192xf32>
    %add3A = arith.addf %slice3A, %slice3A_2 : vector<1x8192xf32>
    %gt3A = arith.constant 0.000000e+00 : f32
    %gt3A_3 = vector.broadcast %gt3A : f32 to vector<1x8192xf32>
    %gt3A_4 = arith.cmpf ogt, %add3A, %gt3A_3 : vector<1x8192xf32>
    %convert_element_type3A = arith.extui %gt3A_4 : vector<1x8192xi1> to vector<1x8192xi32>
    %convert_element_type3A_5 = arith.sitofp %convert_element_type3A : vector<1x8192xi32> to vector<1x8192xf32>
    %reduce_sum3A = vector.shape_cast %convert_element_type3A_5 : vector<1x8192xf32> to vector<1x1x8192xf32>
    %reduce_sum3A_6 = arith.constant dense<0.000000e+00> : vector<1xf32>
    %reduce_sum3A_7 = vector.multi_reduction <add>, %reduce_sum3A, %reduce_sum3A_6 [1, 2] : vector<1x1x8192xf32> to vector<1xf32>
    %reduce_sum3A_8 = vector.shape_cast %reduce_sum3A_7 : vector<1xf32> to vector<1x1x1xf32>
    %reduce_sum3A_9 = vector.extract %reduce_sum3A_8[0, 0, 0] : f32 from vector<1x1x1xf32>
    %mul3A = arith.constant 6.10351563E-5 : f32
    %mul3A_10 = vector.broadcast %mul3A : f32 to vector<1x8192xf32>
    %mul3A_11 = arith.mulf %add3A, %mul3A_10 : vector<1x8192xf32>
    %add3A_12 = arith.constant 1.000000e-10 : f32
    %add3A_13 = vector.broadcast %add3A_12 : f32 to vector<1x8192xf32>
    %add3A_14 = arith.addf %mul3A_11, %add3A_13 : vector<1x8192xf32>
    %log3A = math.log %add3A_14 : vector<1x8192xf32>
    %mul3A_15 = arith.mulf %mul3A_11, %log3A : vector<1x8192xf32>
    %reduce_sum3A_16 = vector.shape_cast %mul3A_15 : vector<1x8192xf32> to vector<1x1x8192xf32>
    %reduce_sum3A_17 = arith.constant dense<0.000000e+00> : vector<1xf32>
    %reduce_sum3A_18 = vector.multi_reduction <add>, %reduce_sum3A_16, %reduce_sum3A_17 [1, 2] : vector<1x1x8192xf32> to vector<1xf32>
    %reduce_sum3A_19 = vector.shape_cast %reduce_sum3A_18 : vector<1xf32> to vector<1x1x1xf32>
    %reduce_sum3A_20 = vector.extract %reduce_sum3A_19[0, 0, 0] : f32 from vector<1x1x1xf32>
    %get3A_21 = arith.constant 0 : index
    %get3A_22 = arith.constant 0 : index
    %get3A_23 = vector.load %arg1[%get3A_21, %get3A_22] : memref<128x128xf32, #tpu.memory_space<vmem>>, vector<128x128xf32>
    %reduce_sum3A_24 = vector.shape_cast %get3A_23 : vector<128x128xf32> to vector<1x128x128xf32>
    %reduce_sum3A_25 = arith.constant dense<0.000000e+00> : vector<1xf32>
    %reduce_sum3A_26 = vector.multi_reduction <add>, %reduce_sum3A_24, %reduce_sum3A_25 [1, 2] : vector<1x128x128xf32> to vector<1xf32>
    %reduce_sum3A_27 = vector.shape_cast %reduce_sum3A_26 : vector<1xf32> to vector<1x1x1xf32>
    %reduce_sum3A_28 = vector.extract %reduce_sum3A_27[0, 0, 0] : f32 from vector<1x1x1xf32>
    %mul3A_29 = arith.constant 2.38418579E-7 : f32
    %mul3A_30 = arith.mulf %reduce_sum3A_28, %mul3A_29 : f32
    %mul3A_31 = arith.constant 2.500000e-01 : f32
    %mul3A_32 = arith.mulf %mul3A_31, %mul3A_30 : f32
    %reshape3A = vector.broadcast %mul3A_32 : f32 to vector<1x1xf32>
    %swap3A = arith.constant 0 : index
    %swap3A_33 = arith.constant 0 : index
    %swap3A_34 = vector.load %arg2[%swap3A, %swap3A_33] : memref<1x1xf32, #tpu.memory_space<vmem>>, vector<1x1xf32>
    tpu.vector_store %arg2[%swap3A, %swap3A_33], %reshape3A {strides = array<i32>} : memref<1x1xf32, #tpu.memory_space<vmem>>, vector<1x1xf32>,
    %neg3A = arith.constant 0.000000e+00 : f32
    %neg3A_35 = arith.subf %neg3A, %reduce_sum3A_20 : f32
    %exp3A = math.exp %neg3A_35 : f32
    %reshape3A_36 = vector.broadcast %exp3A : f32 to vector<1x1xf32>
    %swap3A_37 = arith.constant 0 : index
    %swap3A_38 = arith.constant 0 : index
    %swap3A_39 = vector.load %arg3[%swap3A_37, %swap3A_38] : memref<1x1xf32, #tpu.memory_space<vmem>>, vector<1x1xf32>
    tpu.vector_store %arg3[%swap3A_37, %swap3A_38], %reshape3A_36 {strides = array<i32>} : memref<1x1xf32, #tpu.memory_space<vmem>>, vector<1x1xf32>,
    %mul3A_40 = arith.constant 1.000000e+02 : f32
    %mul3A_41 = arith.mulf %mul3A_40, %reduce_sum3A_9 : f32
    %div3A = arith.constant 8.192000e+03 : f32
    %div3A_42 = arith.divf %mul3A_41, %div3A : f32
    %reshape3A_43 = vector.broadcast %div3A_42 : f32 to vector<1x1xf32>
    %swap3A_44 = arith.constant 0 : index
    %swap3A_45 = arith.constant 0 : index
    %swap3A_46 = vector.load %arg4[%swap3A_44, %swap3A_45] : memref<1x1xf32, #tpu.memory_space<vmem>>, vector<1x1xf32>
    tpu.vector_store %arg4[%swap3A_44, %swap3A_45], %reshape3A_43 {strides = array<i32>} : memref<1x1xf32, #tpu.memory_space<vmem>>, vector<1x1xf32>,
    %reshape3A_47 = vector.broadcast %mul3A_30 : f32 to vector<1x1xf32>
    %swap3A_48 = arith.constant 0 : index
    %swap3A_49 = arith.constant 0 : index
    %swap3A_50 = vector.load %arg5[%swap3A_48, %swap3A_49] : memref<1x1xf32, #tpu.memory_space<vmem>>, vector<1x1xf32>
    tpu.vector_store %arg5[%swap3A_48, %swap3A_49], %reshape3A_47 {strides = array<i32>} : memref<1x1xf32, #tpu.memory_space<vmem>>, vector<1x1xf32>,
    return
  }
}

</mosaic_0001>

<sc_bundles>
// kernel: kernel.5.cloned.1.call-start
scs
__scs_entry_jumppad:
0x0: {  	(pc) =	sbr.rel $0x88, $3  }
0x1: {  	(tag) =	ssettag $0x0;
	lr =	simm.s32 $0x1  }
0x2: {  	[smem:$0x3F9F] =	sst lr;
	_ =	strace $0xD0000000  }
0x3: {  	_ = 	snop  }
0x4: {  	_ = 	snop  }
0x5: {  	_ = 	snop  }
0x6: {  	_ = 	snop  }
0x7: {  	_ = 	snop  }
__scs_overlays_trampoline_lowered:
0x8: {  	[smem:$0x3FAE] =	sst s0  }
0x9: {  	[smem:$0x3FAF] =	sst s1  }
0xa: {  	[smem:$0x3FB0] =	sst s2  }
0xb: {  	[smem:$0x3FB1] =	sst s3  }
0xc: {  	[smem:$0x3FB2] =	sst s4  }
0xd: {  	[smem:$0x3FB3] =	sst s5  }
0xe: {  	[smem:$0x3FB4] =	sst s6  }
0xf: {  	[smem:$0x3FB5] =	sst s7  }
0x10: {  	[smem:$0x3FB6] =	sst s8  }
0x11: {  	[smem:$0x3FB7] =	sst s9;
	s0 =	simm.s32 @!p0 $0x0  }
0x12: {  	s1 =	sld [smem:$0x3F9D];
	s0 =	simm.s32 @p0 $0x1  }
0x13: {  	[smem:$0x3FB8] =	sst s0;
	s0 =	simm.s32 @!p1 $0x0  }
0x14: {  	s2 =	sld [smem:$0x3F9C];
	s0 =	simm.s32 @p1 $0x1  }
0x15: {  	[smem:$0x3FB9] =	sst s0;
	s0 =	simm.s32 @!p2 $0x0  }
0x16: {  	s3 =	sld [smem:$0x3FDB];
	s0 =	simm.s32 @p2 $0x1  }
0x17: {  	s4 =	simm.s32 $0x1BF5;
	[smem:$0x3FBB] =	sst s0  }
0x18: {  	s0 =	sld [smem:$0x3F9E];
	_ =	swait.ge [sflag:s4], $0x0  }
0x19: {  	s7 =	sld [smem:$0x3F9F]  }
0x1a: {  	s8 =	sadd.s32 $0xFFFFE003, lr  }
0x1b: {  	s9 =	sadd.s32 $0xFFFFFEF7, lr;
	s5 =	simm.s32 $0xFFFFFFFF;
	p2 =	slt.u32 s8, $0xFFFFF086  }
0x1c: {  	p1 =	slt.u32 s9, $0xF7A;
	s5 =	simm.s32 @!p2 $0x0  }
0x1d: {  	s5 =	simm.s32 @p1 $0x1;
	p0 =	seq.s32 s7, s2  }
0x1e: {  	s7 =	smul.u32 @!p0 $0xF7A, s2;
	p2 =	seq.s32 @!p0 s5, $0x0  }
0x1f: {  	s9 =	smul.u32 $0xF7A, s1;
	s8 =	simm.s32 @!p0 $0x1BF5;
	p2 =	por !p2, p0  }
0x20: {  	[sflag:s8] =	ssyncset.s32 @!p0 $0xFFFFF086;
	s6 =	sadd.s32 @!p0 s3, s7;
	s7 =	simm.s32 @!p0 $0x108  }
0x21: {  	s3 =	sadd.s32 s3, s9;
	s6 =	sadd.s32 @!p0 $0x88, s6;
	s7 =	simm.s32 @p2 $0x1082  }
0x22: {  	[simem:s7], [sflag:s8] =	dma.local @!p0 [hbm:s6], $0xF7A  }
0x23: {  	s9 =	sor.u32 $0xD0000000, s2;
	s6 =	simm.s32 $0x108;
	_ =	swait.ge @!p0 [sflag:s8], $0x0  }
0x24: {  	s3 =	sadd.s32 $0x88, s3;
	s6 =	simm.s32 @!p1 $0x1082;
	[sflag:s4] =	ssyncset.s32 $0xFFFFF086  }
0x25: {  	[simem:s6], [sflag:s4] =	dma.local [hbm:s3], $0xF7A  }
0x26: {  	[smem:$0x3F9F] =	sst s1;
	(tag) =	ssettag s2;
	_ =	strace s9  }
0x27: {  	s1 =	sld [smem:$0x3FAF]  }
0x28: {  	s2 =	sld [smem:$0x3FB0]  }
0x29: {  	s4 =	sld [smem:$0x3FB2]  }
0x2a: {  	p0 =	seq.s32 s5, $0x0;
	s5 =	sld [smem:$0x3FB3]  }
0x2b: {  	s6 =	sld [smem:$0x3FB4]  }
0x2c: {  	s7 =	sld [smem:$0x3FB5]  }
0x2d: {  	s3 =	simm.s32 $0x108;
	s8 =	sld [smem:$0x3FB6]  }
0x2e: {  	s3 =	simm.s32 @!p0 $0x1082;
	s9 =	sld [smem:$0x3FB7]  }
0x2f: {  	lr =	sadd.s32 s0, s3;
	s0 =	sld [smem:$0x3FAE]  }
0x30: {  	s3 =	sld [smem:$0x3FB1]  }
0x31: {  	[smem:$0x3FBA] =	sst s10  }
0x32: {  	s10 =	sld [smem:$0x3FB8];
	_ =	sdelay $0x3  }
0x33: {  	p0 =	seq.s32 s10, $0x1;
	s10 =	sld [smem:$0x3FBA];
	_ =	sdelay $0x3  }
0x34: {  	[smem:$0x3FBA] =	sst s10  }
0x35: {  	s10 =	sld [smem:$0x3FB9];
	_ =	sdelay $0x3  }
0x36: {  	p1 =	seq.s32 s10, $0x1;
	s10 =	sld [smem:$0x3FBA];
	_ =	sdelay $0x3  }
0x37: {  	[smem:$0x3FBA] =	sst s10  }
0x38: {  	s10 =	sld [smem:$0x3FBB]  }
0x39: {  	_ = 	snop;
	(pc) =	sbr.ind lr, $3  }
0x3a: {  	_ = 	snop  }
0x3b: {  	_ = 	snop  }
0x3c: {  	p2 =	seq.s32 s10, $0x1;
	s10 =	sld [smem:$0x3FBA]  }
0x3d: {  	_ =	shalt  }
0x3e: {  	_ =	shalt  }
0x3f: {  	_ =	shalt  }
0x40: {  	_ =	shalt  }
0x41: {  	_ =	shalt  }
0x42: {  	_ =	shalt  }
0x43: {  	_ =	shalt  }
0x44: {  	_ =	shalt  }
0x45: {  	_ =	shalt  }
0x46: {  	_ =	shalt  }
0x47: {  	_ =	shalt  }
0x48: {  	_ =	shalt  }
0x49: {  	_ =	shalt  }
0x4a: {  	_ =	shalt  }
0x4b: {  	_ =	shalt  }
0x4c: {  	_ =	shalt  }
0x4d: {  	_ =	shalt  }
0x4e: {  	_ =	shalt  }
0x4f: {  	_ =	shalt  }
0x50: {  	_ =	shalt  }
0x51: {  	_ =	shalt  }
0x52: {  	_ =	shalt  }
0x53: {  	_ =	shalt  }
0x54: {  	_ =	shalt  }
0x55: {  	_ =	shalt  }
0x56: {  	_ =	shalt  }
0x57: {  	_ =	shalt  }
0x58: {  	_ =	shalt  }
0x59: {  	_ =	shalt  }
0x5a: {  	_ =	shalt  }
0x5b: {  	_ =	shalt  }
0x5c: {  	_ =	shalt  }
0x5d: {  	_ =	shalt  }
0x5e: {  	_ =	shalt  }
0x5f: {  	_ =	shalt  }
0x60: {  	_ =	shalt  }
0x61: {  	_ =	shalt  }
0x62: {  	_ =	shalt  }
0x63: {  	_ =	shalt  }
0x64: {  	_ =	shalt  }
0x65: {  	_ =	shalt  }
0x66: {  	_ =	shalt  }
0x67: {  	_ =	shalt  }
0x68: {  	_ =	shalt  }
0x69: {  	_ =	shalt  }
0x6a: {  	_ =	shalt  }
0x6b: {  	_ =	shalt  }
0x6c: {  	_ =	shalt  }
0x6d: {  	_ =	shalt  }
0x6e: {  	_ =	shalt  }
0x6f: {  	_ =	shalt  }
0x70: {  	_ =	shalt  }
0x71: {  	_ =	shalt  }
0x72: {  	_ =	shalt  }
0x73: {  	_ =	shalt  }
0x74: {  	_ =	shalt  }
0x75: {  	_ =	shalt  }
0x76: {  	_ =	shalt  }
0x77: {  	_ =	shalt  }
0x78: {  	_ =	shalt  }
0x79: {  	_ =	shalt  }
0x7a: {  	_ =	shalt  }
0x7b: {  	_ =	shalt  }
0x7c: {  	_ =	shalt  }
0x7d: {  	_ =	shalt  }
0x7e: {  	_ =	shalt  }
0x7f: {  	_ =	shalt  }
0x80: {  	_ =	shalt  }
0x81: {  	_ =	shalt  }
0x82: {  	_ =	shalt  }
0x83: {  	_ =	shalt  }
0x84: {  	_ =	shalt  }
0x85: {  	_ =	shalt  }
0x86: {  	_ =	shalt  }
0x87: {  	_ =	shalt  }
.Lfunc_end0:
.L_simem_size_0:
called_computation_lowered:
.L_overlay_start_0:
0x88: {  	s2 =	sld [smem:$0x3FD9]  }
0x89: {  	s3 =	sld [smem:$0x3FFE];
	_ =	sdelay $0x1  }
0x8a: {  	s1 =	srdreg.scid  }
0x8b: {  	s0 =	sand.u32 $0x1, s1  }
0x8c: {  	s14 =	sshll.u32 s0, $0xA;
	s2 =	sadd.s32 s3, s2  }
0x8d: {  	s2 =	sadd.s32 s2, s14  }
0x8e: {  	[smem:$0x3FC6] =	sst s2  }
0x8f: {  	_ = 	snop  }
0x90: {  	s2 =	sld [smem:$0x3FD0];
	_ =	sdelay $0x2  }
0x91: {  	s4 =	simm.s32 $0xA;
	s5 =	simm.s32 $0x10;
	s15 =	sld [smem:$0x3FC8]  }
0x92: {  	[smem:s5], [sflag:s4] =	dma.local [hbm:s2], $0x1  }
0x93: {  	_ =	swait.eq [sflag:s4], $0x1  }
0x94: {  	s16 =	sld [smem:$0x10];
	[sflag:s4] =	ssyncset.done $0x0  }
0x95: {  	s17 =	sld [smem:$0x11];
	[sflag:s4] =	ssyncadd.s32 $0xFFFFFFFF  }
0x96: {  	s18 =	sld [smem:$0x15];
	(tm) =	ssettm $0x1  }
0x97: {  	s6 =	sld [smem:$0x3FFB];
	_ =	sdelay $0x3  }
0x98: {  	_ =	strace s6  }
0x99: {  	s6 =	sld [smem:$0x3FFC];
	_ =	sdelay $0x3  }
0x9a: {  	_ =	strace s6  }
0x9b: {  	s6 =	sld [smem:$0x3FFD];
	_ =	sdelay $0x3  }
0x9c: {  	_ =	strace s6  }
0x9d: {  	_ =	strace $0x8FFFFFFF  }
0x9e: {  	s19 =	sld [smem:$0x3FDB];
	_ =	sdelay $0x1  }
0x9f: {  	s7 =	simm.s32 $_scs_section_size  }
0xa0: {  	s8 =	simm.s32 $_size__tile_overlayer_lowered;
	s9 =	simm.s32 $_tile_overlayer_lowered  }
0xa1: {  	s22 =	simm.s32 $0x1BFF;
	s21 =	sshll.u32 s9, $0x1;
	s6 =	sadd.s32 s7, s19  }
0xa2: {  	s10 =	simm.s32 $0x0;
	s20 =	sshll.u32 s8, $0x1;
	s8 =	sadd.s32 s21, s6  }
0xa3: {  	[timem:s10], [sflag:s22] =	dma.local [hbm:s8], s20  }
0xa4: {  	_ =	swait.ge [sflag:s22], s20  }
0xa5: {  	s7 =	ssub.s32 $0x0, s20;
	[sflag:s22] =	ssyncset.done $0x0  }
0xa6: {  	[sflag:s22] =	ssyncadd.s32 s7;
	_ =	sdelay $0x1  }
0xa7: {  	s23 =	simm.s32 $0x1B8B  }
0xa8: {  	_ =	swait.ge [sflag:s23], $0x1  }
0xa9: {  	[sflag:s23] =	ssyncset.done $0x0  }
0xaa: {  	s25 =	simm.s32 $0x1B8E;
	s24 =	sld [smem:$0x3FFE];
	[sflag:s23] =	ssyncadd.s32 $0xFFFFFFFF  }
0xab: {  	s26 =	simm.s32 $execute0_lowered;
	[smem:$0x3FD2] =	sst s25  }
0xac: {  	s8 =	sshll.u32 s26, $0x1;
	_ =	strace $0x80000046;
	[dreg:$0x1] =	wrdreg $0xFFFFFFFF  }
0xad: {  	s28 =	simm.s32 $_size_execute0_lowered;
	s6 =	sadd.s32 s6, s8;
	[dreg:$0x0] =	wrdreg $0x0  }
0xae: {  	s8 =	sshll.u32 s28, $0x1;
	[dreg:$0x2] =	wrdreg s6  }
0xaf: {  	[dreg:$0x3] =	wrdreg s8  }
0xb0: {  	[dreg:$0x4] =	wrdreg $0xC0  }
0xb1: {  	_ =	task [dreg:s10], $0x5FFFF  }
0xb2: {  	[dreg:$0x1] =	wrdreg $0xFFFFFFFF  }
0xb3: {  	[dreg:$0x0] =	wrdreg $0x60  }
0xb4: {  	[dreg:$0x2] =	wrdreg s17  }
0xb5: {  	[dreg:$0x3] =	wrdreg s15  }
0xb6: {  	[dreg:$0x4] =	wrdreg s18  }
0xb7: {  	[dreg:$0x5] =	wrdreg s24  }
0xb8: {  	[dreg:$0x6] =	wrdreg s16  }
0xb9: {  	[dreg:$0x7] =	wrdreg $0x82800  }
0xba: {  	[dreg:$0x8] =	wrdreg $0x9  }
0xbb: {  	_ =	task.clear_ibuf [dreg:s10], $0x9FFFF;
	_ =	strace $0x90000046  }
0xbc: {  	s29 =	simm.s32 $0x9;
	_ =	strace $0x80000048  }
0xbd: {  	_ =	swait.ge [sflag:s29], $0x1  }
0xbe: {  	[sflag:s29] =	ssyncadd.s32 $0xFFFFFFFF  }
0xbf: {  	_ =	strace $0x90000048  }
0xc0: {  	_ =	sfence  }
0xc1: {  	s30 =	sld [smem:$0x0];
	_ =	sdelay $0x2  }
0xc2: {  	s31 =	sshll.u32 s1, $0xD;
	s1 =	sshrl.u32 s1, $0x2  }
0xc3: {  	s3 =	sand.u32 $0x4000, s31;
	s1 =	sadd.s32 s1, s30  }
0xc4: {  	s0 =	sor.u32 s3, s0;
	s1 =	sshll.u32 s1, $0x11  }
0xc5: {  	s0 =	sor.u32 s1, s0  }
0xc6: {  	s0 =	sadd.s32 $0x8F2B, s0  }
0xc7: {  	[sflag:s0] =	ssyncadd.remote.s32 $0x1  }
0xc8: {  	_ =	sfence.sel $0xFFFF  }
0xc9: {  	[dreg:$0x0] =	wrdreg $0xFFFFFFFF;
	(pc) =	sbr.abs _section_cstart, $3  }
0xca: {  	[dreg:$0x1] =	wrdreg $0xFFFFFFFF  }
0xcb: {  	_ =	task.clear_ibuf [dreg:s10], $0x2FFFF;
	_ =	strace $0x9FFFFFFF  }
0xcc: {  	(tm) =	ssettm $0x7FFFFFFF  }
0xcd: {  	_ =	shalt  }
tec
execute0_lowered:
.L_overlay_start_1:
0x0: {  	(tag) =	ssettag $0x1  }
0x1: {  	s5 =	rddreg [dreg:$0x0]  }
0x2: {  	s0 =	rddreg [dreg:$0x1]  }
0x3: {  	s1 =	rddreg [dreg:$0x2]  }
0x4: {  	s6 =	rddreg [dreg:$0x3]  }
0x5: {  	s7 =	rddreg [dreg:$0x4]  }
0x6: {  	s2 =	rddreg [dreg:$0x5];
	s3 =	simm.s32 $0x0;
	s4 =	srdreg.scid  }
0x7: {  	s10 =	stileid.u32;
	s14 =	simm.s32 $0x2A00;
	s15 =	simm.s32 $0x3200  }
0x8: {  	s16 =	simm.s32 $0x3A00;
	s17 =	simm.s32 $0x4200;
	s18 =	simm.s32 $0x4A00  }
0x9: {  	s19 =	simm.s32 $0x5200;
	s31 =	simm.s32 $0x10;
	[dreg:$0x7] =	wrdreg s1  }
0xa: {  	[smem:$0x7FF] =	sst s3;
	s8 =	sand.u32 $0x1, s4;
	s11 =	sadd.s32 $0x800, s6  }
0xb: {  	s4 =	sshll.u32 s10, $0x6;
	s25 =	sshll.u32 s10, $0x7;
	s29 =	sshll.u32 s10, $0x9  }
0xc: {  	p0 =	sne.s32 s10, $0x0;
	_ =	strace $0x80000047;
	s9 =	sshll.u32 s8, $0x4  }
0xd: {  	[dreg:$0x8] =	wrdreg s11;
	s13 =	sand.u32 $0x40, s4;
	s22 =	ssub.s32 $0x2, s8  }
0xe: {  	s8 =	simm.s32 $0x8200;
	[dreg:$0x12] =	wrdreg s31;
	s12 =	sor.u32 s10, s9  }
0xf: {  	s5 =	sadd.s32 s5, s13;
	s6 =	sadd.s32 s9, s6;
	s28 =	sshrl.u32 s22, $0x1  }
0x10: {  	s9 =	simm.s32 $0x200;
	s10 =	simm.s32 $0xA00;
	s13 =	simm.s32 $0x2200  }
0x11: {  	s20 =	sshll.u32 s12, $0x6;
	s12 =	sshll.u32 s12, $0xE;
	s6 =	sadd.s32 s25, s6  }
0x12: {  	s25 =	simm.s32 $0x20;
	s11 =	sand.u32 $0x780, s20;
	s6 =	sadd.s32 $0xC00, s6  }
0x13: {  	s20 =	simm.s32 $0x5A00;
	[dreg:$0x11] =	wrdreg s25;
	s25 =	simm.s32 $0x1  }
0x14: {  	s21 =	sadd.s32 s11, s5;
	s5 =	sadd.s32 s7, s12;
	s7 =	ssub.s32 s22, s28  }
0x15: {  	[dreg:$0xd] =	wrdreg s6;
	s11 =	simm.s32 $0x1200;
	s12 =	simm.s32 $0x1A00  }
0x16: {  	s22 =	simm.s32 $0x100;
	[dreg:$0x9] =	wrdreg s21;
	s23 =	sadd.s32 $0x1000, s5  }
0x17: {  	s24 =	sadd.s32 $0x2000, s5;
	s26 =	sadd.s32 $0x3000, s5;
	[dreg:$0xe] =	wrdreg s22  }
0x18: {  	s6 =	smax.u32 s7, $0x1;
	s7 =	simm.s32 $0x2;
	[dreg:$0xa] =	wrdreg s23  }
0x19: {  	s21 =	simm.s32 $0x6200;
	s22 =	simm.s32 $0x6A00;
	[dreg:$0xb] =	wrdreg s24  }
0x1a: {  	v2 =	vlaneseq.u32;
	[dreg:$0xc] =	wrdreg s26;
	s23 =	sadd.s32 s29, s2;
	s24 =	simm.s32 $0x180  }
0x1b: {  	vm0 =	vmmov $0xffff;
	v1 =	vshrl.u32 v2, $0x3;
	s26 =	simm.s32 $0x80;
	[dreg:$0xf] =	wrdreg s24;
	s30 =	sshrl.u32 s23, $0x3  }
0x1c: {  	v0 =	vand.u32 $0x7, v2;
	v2 =	vor.u32 $0x8, v2;
	v1 =	vmul.u32 $0x8, v1;
	s23 =	simm.s32 $0x7200;
	s24 =	simm.s32 $0x7A00;
	[dreg:$0x10] =	wrdreg s30  }
.LBB2_1:
0x1d: {  	s28 =	rddreg [dreg:$0x9]  }
0x1e: {  	[tilespmem:s3], [sflag:$0x2] =	stream.linear.gather [hbm4b:s28+s3], $0x200, $0x38;
	[tilespmem:$0x8480] =	vst v63  }
0x1f: {  	_ =	swait.ge [sflag:s7], $0x200  }
0x20: {  	[sflag:s7] =	ssyncset.done $0x0  }
0x21: {  	s30 =	rddreg [dreg:$0x7];
	[sflag:s7] =	ssyncadd.s32 $0xFFFFFE00  }
0x22: {  	[tilespmem:s8], [sflag:$0x2] =	stream.linear.gather [hbm4b:s30+s3], $0x80, $0x38;
	[tilespmem:$0x8480] =	vst v63  }
0x23: {  	_ =	swait.ge [sflag:s7], $0x80  }
0x24: {  	[sflag:s7] =	ssyncset.done $0x0  }
0x25: {  	[sflag:s7] =	ssyncadd.s32 $0xFFFFFF80  }
0x26: {  	v3 =	vld [tilespmem:$0x0];
	_ =	sdelay $0x4  }
0x27: {  	v4 =	vshll.u32 v3, $0x1  }
0x28: {  	v3 =	vand.u32 $0x7, v3;
	v4 =	vand.u32 $0xFFFFFFF0, v4  }
0x29: {  	v3 =	vor.u32 v3, v4  }
0x2a: {  	v4 =	vperm.xlane v3, v0;
	_ =	sdelay $0x1  }
0x2b: {  	v3 =	vperm.xlane v3, v2;
	v4 =	vadd.s32 v1, v4;
	_ =	sdelay $0x1  }
0x2c: {  	v3 =	vadd.s32 v1, v3;
	_ =	sdelay $0x2  }
0x2d: {  	[tilespmem:s9], [sflag:$0x1] =	stream.indirect_vreg.gather [hbm4b:s0+s3], $0x80, v4, vm0, $0xb8;
	[tilespmem:$0x8480] =	vst v63  }
0x2e: {  	_ = 	snop  }
0x2f: {  	[tilespmem:s10], [sflag:$0x1] =	stream.indirect_vreg.gather [hbm4b:s0+s3], $0x80, v3, vm0, $0xb8;
	[tilespmem:$0x8480] =	vst v63  }
0x30: {  	v3 =	vld [tilespmem:$0x10];
	_ =	sdelay $0x4  }
0x31: {  	v33 =	vshll.u32 v3, $0x1  }
0x32: {  	v3 =	vand.u32 $0x7, v3;
	v4 =	vand.u32 $0xFFFFFFF0, v33  }
0x33: {  	v3 =	vor.u32 v3, v4  }
0x34: {  	v4 =	vperm.xlane v3, v0;
	_ =	sdelay $0x1  }
0x35: {  	v3 =	vperm.xlane v3, v2;
	v4 =	vadd.s32 v1, v4;
	_ =	sdelay $0x1  }
0x36: {  	v3 =	vadd.s32 v1, v3;
	_ =	sdelay $0x2  }
0x37: {  	[tilespmem:s11], [sflag:$0x1] =	stream.indirect_vreg.gather [hbm4b:s0+s3], $0x80, v4, vm0, $0xb8;
	[tilespmem:$0x8480] =	vst v63  }
0x38: {  	_ = 	snop  }
0x39: {  	[tilespmem:s12], [sflag:$0x1] =	stream.indirect_vreg.gather [hbm4b:s0+s3], $0x80, v3, vm0, $0xb8;
	[tilespmem:$0x8480] =	vst v63  }
0x3a: {  	v3 =	vld [tilespmem:$0x20];
	_ =	sdelay $0x4  }
0x3b: {  	v34 =	vshll.u32 v3, $0x1  }
0x3c: {  	v3 =	vand.u32 $0x7, v3;
	v4 =	vand.u32 $0xFFFFFFF0, v34  }
0x3d: {  	v3 =	vor.u32 v3, v4  }
0x3e: {  	v4 =	vperm.xlane v3, v0;
	_ =	sdelay $0x1  }
0x3f: {  	v3 =	vperm.xlane v3, v2;
	v4 =	vadd.s32 v1, v4;
	_ =	sdelay $0x1  }
0x40: {  	v3 =	vadd.s32 v1, v3;
	_ =	sdelay $0x2  }
0x41: {  	[tilespmem:s13], [sflag:$0x1] =	stream.indirect_vreg.gather [hbm4b:s0+s3], $0x80, v4, vm0, $0xb8;
	[tilespmem:$0x8480] =	vst v63  }
0x42: {  	_ = 	snop  }
0x43: {  	[tilespmem:s14], [sflag:$0x1] =	stream.indirect_vreg.gather [hbm4b:s0+s3], $0x80, v3, vm0, $0xb8;
	[tilespmem:$0x8480] =	vst v63  }
0x44: {  	v3 =	vld [tilespmem:$0x30];
	_ =	sdelay $0x4  }
0x45: {  	v35 =	vshll.u32 v3, $0x1  }
0x46: {  	v3 =	vand.u32 $0x7, v3;
	v4 =	vand.u32 $0xFFFFFFF0, v35  }
0x47: {  	v3 =	vor.u32 v3, v4  }
0x48: {  	v4 =	vperm.xlane v3, v0;
	_ =	sdelay $0x1  }
0x49: {  	v3 =	vperm.xlane v3, v2;
	v4 =	vadd.s32 v1, v4;
	_ =	sdelay $0x1  }
0x4a: {  	v3 =	vadd.s32 v1, v3;
	_ =	sdelay $0x2  }
0x4b: {  	[tilespmem:s15], [sflag:$0x1] =	stream.indirect_vreg.gather [hbm4b:s0+s3], $0x80, v4, vm0, $0xb8;
	[tilespmem:$0x8480] =	vst v63  }
0x4c: {  	_ = 	snop  }
0x4d: {  	[tilespmem:s16], [sflag:$0x1] =	stream.indirect_vreg.gather [hbm4b:s0+s3], $0x80, v3, vm0, $0xb8;
	[tilespmem:$0x8480] =	vst v63  }
0x4e: {  	v3 =	vld [tilespmem:$0x40];
	_ =	sdelay $0x4  }
0x4f: {  	v36 =	vshll.u32 v3, $0x1  }
0x50: {  	v3 =	vand.u32 $0x7, v3;
	v4 =	vand.u32 $0xFFFFFFF0, v36  }
0x51: {  	v3 =	vor.u32 v3, v4  }
0x52: {  	v4 =	vperm.xlane v3, v0;
	_ =	sdelay $0x1  }
0x53: {  	v3 =	vperm.xlane v3, v2;
	v4 =	vadd.s32 v1, v4;
	_ =	sdelay $0x1  }
0x54: {  	v3 =	vadd.s32 v1, v3;
	_ =	sdelay $0x2  }
0x55: {  	[tilespmem:s17], [sflag:$0x1] =	stream.indirect_vreg.gather [hbm4b:s0+s3], $0x80, v4, vm0, $0xb8;
	[tilespmem:$0x8480] =	vst v63  }
0x56: {  	_ = 	snop  }
0x57: {  	[tilespmem:s18], [sflag:$0x1] =	stream.indirect_vreg.gather [hbm4b:s0+s3], $0x80, v3, vm0, $0xb8;
	[tilespmem:$0x8480] =	vst v63  }
0x58: {  	v3 =	vld [tilespmem:$0x50];
	_ =	sdelay $0x4  }
0x59: {  	v37 =	vshll.u32 v3, $0x1  }
0x5a: {  	v3 =	vand.u32 $0x7, v3;
	v4 =	vand.u32 $0xFFFFFFF0, v37  }
0x5b: {  	v3 =	vor.u32 v3, v4  }
0x5c: {  	v4 =	vperm.xlane v3, v0;
	_ =	sdelay $0x1  }
0x5d: {  	v3 =	vperm.xlane v3, v2;
	v4 =	vadd.s32 v1, v4;
	_ =	sdelay $0x1  }
0x5e: {  	v3 =	vadd.s32 v1, v3;
	_ =	sdelay $0x2  }
0x5f: {  	[tilespmem:s19], [sflag:$0x1] =	stream.indirect_vreg.gather [hbm4b:s0+s3], $0x80, v4, vm0, $0xb8;
	[tilespmem:$0x8480] =	vst v63  }
0x60: {  	_ = 	snop  }
0x61: {  	[tilespmem:s20], [sflag:$0x1] =	stream.indirect_vreg.gather [hbm4b:s0+s3], $0x80, v3, vm0, $0xb8;
	[tilespmem:$0x8480] =	vst v63  }
0x62: {  	v3 =	vld [tilespmem:$0x60];
	_ =	sdelay $0x4  }
0x63: {  	v38 =	vshll.u32 v3, $0x1  }
0x64: {  	v3 =	vand.u32 $0x7, v3;
	v4 =	vand.u32 $0xFFFFFFF0, v38  }
0x65: {  	v3 =	vor.u32 v3, v4  }
0x66: {  	v4 =	vperm.xlane v3, v0;
	_ =	sdelay $0x1  }
0x67: {  	v3 =	vperm.xlane v3, v2;
	v4 =	vadd.s32 v1, v4;
	_ =	sdelay $0x1  }
0x68: {  	v3 =	vadd.s32 v1, v3;
	_ =	sdelay $0x2  }
0x69: {  	[tilespmem:s21], [sflag:$0x1] =	stream.indirect_vreg.gather [hbm4b:s0+s3], $0x80, v4, vm0, $0xb8;
	[tilespmem:$0x8480] =	vst v63  }
0x6a: {  	_ = 	snop  }
0x6b: {  	[tilespmem:s22], [sflag:$0x1] =	stream.indirect_vreg.gather [hbm4b:s0+s3], $0x80, v3, vm0, $0xb8;
	[tilespmem:$0x8480] =	vst v63  }
0x6c: {  	v3 =	vld [tilespmem:$0x70];
	_ =	sdelay $0x4  }
0x6d: {  	v39 =	vshll.u32 v3, $0x1  }
0x6e: {  	v3 =	vand.u32 $0x7, v3;
	v4 =	vand.u32 $0xFFFFFFF0, v39  }
0x6f: {  	v3 =	vor.u32 v3, v4  }
0x70: {  	v4 =	vperm.xlane v3, v0;
	_ =	sdelay $0x1  }
0x71: {  	v3 =	vperm.xlane v3, v2;
	v4 =	vadd.s32 v1, v4;
	_ =	sdelay $0x1  }
0x72: {  	v3 =	vadd.s32 v1, v3;
	_ =	sdelay $0x2  }
0x73: {  	[tilespmem:s23], [sflag:$0x1] =	stream.indirect_vreg.gather [hbm4b:s0+s3], $0x80, v4, vm0, $0xb8;
	[tilespmem:$0x8480] =	vst v63  }
0x74: {  	_ = 	snop  }
0x75: {  	[tilespmem:s24], [sflag:$0x1] =	stream.indirect_vreg.gather [hbm4b:s0+s3], $0x80, v3, vm0, $0xb8;
	[tilespmem:$0x8480] =	vst v63  }
0x76: {  	_ =	swait.ge [sflag:s25], $0x8000  }
0x77: {  	[sflag:s25] =	ssyncset.done $0x0  }
0x78: {  	[sflag:s25] =	ssyncadd.s32 $0xFFFF8000  }
0x79: {  	[hbm4b:s5+s3] =	stream.linear.scatter [tilespmem:s9], [sflag:$0x2], $0x8000, $0x38;
	[tilespmem:$0x8480] =	vst v63  }
0x7a: {  	_ =	swait.ge [sflag:s7], $0x8000  }
0x7b: {  	[sflag:s7] =	ssyncset.done $0x0  }
0x7c: {  	[sflag:s7] =	ssyncadd.s32 $0xFFFF8000  }
0x7d: {  	v3 =	vld [tilespmem:$0x80];
	_ =	sdelay $0x4  }
0x7e: {  	v40 =	vshll.u32 v3, $0x1  }
0x7f: {  	v3 =	vand.u32 $0x7, v3;
	v4 =	vand.u32 $0xFFFFFFF0, v40  }
0x80: {  	v3 =	vor.u32 v3, v4  }
0x81: {  	v4 =	vperm.xlane v3, v0;
	_ =	sdelay $0x1  }
0x82: {  	v3 =	vperm.xlane v3, v2;
	v4 =	vadd.s32 v1, v4;
	_ =	sdelay $0x1  }
0x83: {  	v3 =	vadd.s32 v1, v3;
	_ =	sdelay $0x2  }
0x84: {  	[tilespmem:s9], [sflag:$0x1] =	stream.indirect_vreg.gather [hbm4b:s0+s3], $0x80, v4, vm0, $0xb8;
	[tilespmem:$0x8480] =	vst v63  }
0x85: {  	_ = 	snop  }
0x86: {  	[tilespmem:s10], [sflag:$0x1] =	stream.indirect_vreg.gather [hbm4b:s0+s3], $0x80, v3, vm0, $0xb8;
	[tilespmem:$0x8480] =	vst v63  }
0x87: {  	v3 =	vld [tilespmem:$0x90];
	_ =	sdelay $0x4  }
0x88: {  	v41 =	vshll.u32 v3, $0x1  }
0x89: {  	v3 =	vand.u32 $0x7, v3;
	v4 =	vand.u32 $0xFFFFFFF0, v41  }
0x8a: {  	v3 =	vor.u32 v3, v4  }
0x8b: {  	v4 =	vperm.xlane v3, v0;
	_ =	sdelay $0x1  }
0x8c: {  	v3 =	vperm.xlane v3, v2;
	v4 =	vadd.s32 v1, v4;
	_ =	sdelay $0x1  }
0x8d: {  	v3 =	vadd.s32 v1, v3;
	_ =	sdelay $0x2  }
0x8e: {  	[tilespmem:s11], [sflag:$0x1] =	stream.indirect_vreg.gather [hbm4b:s0+s3], $0x80, v4, vm0, $0xb8;
	[tilespmem:$0x8480] =	vst v63  }
0x8f: {  	_ = 	snop  }
0x90: {  	[tilespmem:s12], [sflag:$0x1] =	stream.indirect_vreg.gather [hbm4b:s0+s3], $0x80, v3, vm0, $0xb8;
	[tilespmem:$0x8480] =	vst v63  }
0x91: {  	v3 =	vld [tilespmem:$0xA0];
	_ =	sdelay $0x4  }
0x92: {  	v42 =	vshll.u32 v3, $0x1  }
0x93: {  	v3 =	vand.u32 $0x7, v3;
	v4 =	vand.u32 $0xFFFFFFF0, v42  }
0x94: {  	v3 =	vor.u32 v3, v4  }
0x95: {  	v4 =	vperm.xlane v3, v0;
	_ =	sdelay $0x1  }
0x96: {  	v3 =	vperm.xlane v3, v2;
	v4 =	vadd.s32 v1, v4;
	_ =	sdelay $0x1  }
0x97: {  	v3 =	vadd.s32 v1, v3;
	_ =	sdelay $0x2  }
0x98: {  	[tilespmem:s13], [sflag:$0x1] =	stream.indirect_vreg.gather [hbm4b:s0+s3], $0x80, v4, vm0, $0xb8;
	[tilespmem:$0x8480] =	vst v63  }
0x99: {  	_ = 	snop  }
0x9a: {  	[tilespmem:s14], [sflag:$0x1] =	stream.indirect_vreg.gather [hbm4b:s0+s3], $0x80, v3, vm0, $0xb8;
	[tilespmem:$0x8480] =	vst v63  }
0x9b: {  	v3 =	vld [tilespmem:$0xB0];
	_ =	sdelay $0x4  }
0x9c: {  	v43 =	vshll.u32 v3, $0x1  }
0x9d: {  	v3 =	vand.u32 $0x7, v3;
	v4 =	vand.u32 $0xFFFFFFF0, v43  }
0x9e: {  	v3 =	vor.u32 v3, v4  }
0x9f: {  	v4 =	vperm.xlane v3, v0;
	_ =	sdelay $0x1  }
0xa0: {  	v3 =	vperm.xlane v3, v2;
	v4 =	vadd.s32 v1, v4;
	_ =	sdelay $0x1  }
0xa1: {  	v3 =	vadd.s32 v1, v3;
	_ =	sdelay $0x2  }
0xa2: {  	[tilespmem:s15], [sflag:$0x1] =	stream.indirect_vreg.gather [hbm4b:s0+s3], $0x80, v4, vm0, $0xb8;
	[tilespmem:$0x8480] =	vst v63  }
0xa3: {  	_ = 	snop  }
0xa4: {  	[tilespmem:s16], [sflag:$0x1] =	stream.indirect_vreg.gather [hbm4b:s0+s3], $0x80, v3, vm0, $0xb8;
	[tilespmem:$0x8480] =	vst v63  }
0xa5: {  	v3 =	vld [tilespmem:$0xC0];
	_ =	sdelay $0x4  }
0xa6: {  	v44 =	vshll.u32 v3, $0x1  }
0xa7: {  	v3 =	vand.u32 $0x7, v3;
	v4 =	vand.u32 $0xFFFFFFF0, v44  }
0xa8: {  	v3 =	vor.u32 v3, v4  }
0xa9: {  	v4 =	vperm.xlane v3, v0;
	_ =	sdelay $0x1  }
0xaa: {  	v3 =	vperm.xlane v3, v2;
	v4 =	vadd.s32 v1, v4;
	_ =	sdelay $0x1  }
0xab: {  	v3 =	vadd.s32 v1, v3;
	_ =	sdelay $0x2  }
0xac: {  	[tilespmem:s17], [sflag:$0x1] =	stream.indirect_vreg.gather [hbm4b:s0+s3], $0x80, v4, vm0, $0xb8;
	[tilespmem:$0x8480] =	vst v63  }
0xad: {  	_ = 	snop  }
0xae: {  	[tilespmem:s18], [sflag:$0x1] =	stream.indirect_vreg.gather [hbm4b:s0+s3], $0x80, v3, vm0, $0xb8;
	[tilespmem:$0x8480] =	vst v63  }
0xaf: {  	v3 =	vld [tilespmem:$0xD0];
	_ =	sdelay $0x4  }
0xb0: {  	v45 =	vshll.u32 v3, $0x1  }
0xb1: {  	v3 =	vand.u32 $0x7, v3;
	v4 =	vand.u32 $0xFFFFFFF0, v45  }
0xb2: {  	v3 =	vor.u32 v3, v4  }
0xb3: {  	v4 =	vperm.xlane v3, v0;
	_ =	sdelay $0x1  }
0xb4: {  	v3 =	vperm.xlane v3, v2;
	v4 =	vadd.s32 v1, v4;
	_ =	sdelay $0x1  }
0xb5: {  	v3 =	vadd.s32 v1, v3;
	_ =	sdelay $0x2  }
0xb6: {  	[tilespmem:s19], [sflag:$0x1] =	stream.indirect_vreg.gather [hbm4b:s0+s3], $0x80, v4, vm0, $0xb8;
	[tilespmem:$0x8480] =	vst v63  }
0xb7: {  	_ = 	snop  }
0xb8: {  	[tilespmem:s20], [sflag:$0x1] =	stream.indirect_vreg.gather [hbm4b:s0+s3], $0x80, v3, vm0, $0xb8;
	[tilespmem:$0x8480] =	vst v63  }
0xb9: {  	v3 =	vld [tilespmem:$0xE0];
	_ =	sdelay $0x4  }
0xba: {  	v46 =	vshll.u32 v3, $0x1  }
0xbb: {  	v3 =	vand.u32 $0x7, v3;
	v4 =	vand.u32 $0xFFFFFFF0, v46  }
0xbc: {  	v3 =	vor.u32 v3, v4  }
0xbd: {  	v4 =	vperm.xlane v3, v0;
	_ =	sdelay $0x1  }
0xbe: {  	v3 =	vperm.xlane v3, v2;
	v4 =	vadd.s32 v1, v4;
	_ =	sdelay $0x1  }
0xbf: {  	v3 =	vadd.s32 v1, v3;
	_ =	sdelay $0x2  }
0xc0: {  	[tilespmem:s21], [sflag:$0x1] =	stream.indirect_vreg.gather [hbm4b:s0+s3], $0x80, v4, vm0, $0xb8;
	[tilespmem:$0x8480] =	vst v63  }
0xc1: {  	_ = 	snop  }
0xc2: {  	[tilespmem:s22], [sflag:$0x1] =	stream.indirect_vreg.gather [hbm4b:s0+s3], $0x80, v3, vm0, $0xb8;
	[tilespmem:$0x8480] =	vst v63  }
0xc3: {  	v3 =	vld [tilespmem:$0xF0];
	_ =	sdelay $0x4  }
0xc4: {  	v47 =	vshll.u32 v3, $0x1  }
0xc5: {  	v3 =	vand.u32 $0x7, v3;
	v4 =	vand.u32 $0xFFFFFFF0, v47  }
0xc6: {  	v3 =	vor.u32 v3, v4  }
0xc7: {  	v4 =	vperm.xlane v3, v0;
	_ =	sdelay $0x1  }
0xc8: {  	v3 =	vperm.xlane v3, v2;
	v4 =	vadd.s32 v1, v4;
	_ =	sdelay $0x1  }
0xc9: {  	v3 =	vadd.s32 v1, v3;
	_ =	sdelay $0x2  }
0xca: {  	[tilespmem:s23], [sflag:$0x1] =	stream.indirect_vreg.gather [hbm4b:s0+s3], $0x80, v4, vm0, $0xb8;
	[tilespmem:$0x8480] =	vst v63  }
0xcb: {  	_ = 	snop  }
0xcc: {  	[tilespmem:s24], [sflag:$0x1] =	stream.indirect_vreg.gather [hbm4b:s0+s3], $0x80, v3, vm0, $0xb8;
	[tilespmem:$0x8480] =	vst v63  }
0xcd: {  	_ =	swait.ge [sflag:s25], $0x8000  }
0xce: {  	[sflag:s25] =	ssyncset.done $0x0  }
0xcf: {  	s31 =	rddreg [dreg:$0xa];
	[sflag:s25] =	ssyncadd.s32 $0xFFFF8000  }
0xd0: {  	[hbm4b:s31+s3] =	stream.linear.scatter [tilespmem:s9], [sflag:$0x2], $0x8000, $0x38;
	[tilespmem:$0x8480] =	vst v63  }
0xd1: {  	_ =	swait.ge [sflag:s7], $0x8000  }
0xd2: {  	[sflag:s7] =	ssyncset.done $0x0  }
0xd3: {  	[sflag:s7] =	ssyncadd.s32 $0xFFFF8000  }
0xd4: {  	v3 =	vld [tilespmem:$0x100];
	_ =	sdelay $0x4  }
0xd5: {  	v48 =	vshll.u32 v3, $0x1  }
0xd6: {  	v3 =	vand.u32 $0x7, v3;
	v4 =	vand.u32 $0xFFFFFFF0, v48  }
0xd7: {  	v3 =	vor.u32 v3, v4  }
0xd8: {  	v4 =	vperm.xlane v3, v0;
	_ =	sdelay $0x1  }
0xd9: {  	v3 =	vperm.xlane v3, v2;
	v4 =	vadd.s32 v1, v4;
	_ =	sdelay $0x1  }
0xda: {  	v3 =	vadd.s32 v1, v3;
	_ =	sdelay $0x2  }
0xdb: {  	[tilespmem:s9], [sflag:$0x1] =	stream.indirect_vreg.gather [hbm4b:s0+s3], $0x80, v4, vm0, $0xb8;
	[tilespmem:$0x8480] =	vst v63  }
0xdc: {  	_ = 	snop  }
0xdd: {  	[tilespmem:s10], [sflag:$0x1] =	stream.indirect_vreg.gather [hbm4b:s0+s3], $0x80, v3, vm0, $0xb8;
	[tilespmem:$0x8480] =	vst v63  }
0xde: {  	v3 =	vld [tilespmem:$0x110];
	_ =	sdelay $0x4  }
0xdf: {  	v49 =	vshll.u32 v3, $0x1  }
0xe0: {  	v3 =	vand.u32 $0x7, v3;
	v4 =	vand.u32 $0xFFFFFFF0, v49  }
0xe1: {  	v3 =	vor.u32 v3, v4  }
0xe2: {  	v4 =	vperm.xlane v3, v0;
	_ =	sdelay $0x1  }
0xe3: {  	v3 =	vperm.xlane v3, v2;
	v4 =	vadd.s32 v1, v4;
	_ =	sdelay $0x1  }
0xe4: {  	v3 =	vadd.s32 v1, v3;
	_ =	sdelay $0x2  }
0xe5: {  	[tilespmem:s11], [sflag:$0x1] =	stream.indirect_vreg.gather [hbm4b:s0+s3], $0x80, v4, vm0, $0xb8;
	[tilespmem:$0x8480] =	vst v63  }
0xe6: {  	_ = 	snop  }
0xe7: {  	[tilespmem:s12], [sflag:$0x1] =	stream.indirect_vreg.gather [hbm4b:s0+s3], $0x80, v3, vm0, $0xb8;
	[tilespmem:$0x8480] =	vst v63  }
0xe8: {  	v3 =	vld [tilespmem:$0x120];
	_ =	sdelay $0x4  }
0xe9: {  	v50 =	vshll.u32 v3, $0x1  }
0xea: {  	v3 =	vand.u32 $0x7, v3;
	v4 =	vand.u32 $0xFFFFFFF0, v50  }
0xeb: {  	v3 =	vor.u32 v3, v4  }
0xec: {  	v4 =	vperm.xlane v3, v0;
	_ =	sdelay $0x1  }
0xed: {  	v3 =	vperm.xlane v3, v2;
	v4 =	vadd.s32 v1, v4;
	_ =	sdelay $0x1  }
0xee: {  	v3 =	vadd.s32 v1, v3;
	_ =	sdelay $0x2  }
0xef: {  	[tilespmem:s13], [sflag:$0x1] =	stream.indirect_vreg.gather [hbm4b:s0+s3], $0x80, v4, vm0, $0xb8;
	[tilespmem:$0x8480] =	vst v63  }
0xf0: {  	_ = 	snop  }
0xf1: {  	[tilespmem:s14], [sflag:$0x1] =	stream.indirect_vreg.gather [hbm4b:s0+s3], $0x80, v3, vm0, $0xb8;
	[tilespmem:$0x8480] =	vst v63  }
0xf2: {  	v3 =	vld [tilespmem:$0x130];
	_ =	sdelay $0x4  }
0xf3: {  	v51 =	vshll.u32 v3, $0x1  }
0xf4: {  	v3 =	vand.u32 $0x7, v3;
	v4 =	vand.u32 $0xFFFFFFF0, v51  }
0xf5: {  	v3 =	vor.u32 v3, v4  }
0xf6: {  	v4 =	vperm.xlane v3, v0;
	_ =	sdelay $0x1  }
0xf7: {  	v3 =	vperm.xlane v3, v2;
	v4 =	vadd.s32 v1, v4;
	_ =	sdelay $0x1  }
0xf8: {  	v3 =	vadd.s32 v1, v3;
	_ =	sdelay $0x2  }
0xf9: {  	[tilespmem:s15], [sflag:$0x1] =	stream.indirect_vreg.gather [hbm4b:s0+s3], $0x80, v4, vm0, $0xb8;
	[tilespmem:$0x8480] =	vst v63  }
0xfa: {  	_ = 	snop  }
0xfb: {  	[tilespmem:s16], [sflag:$0x1] =	stream.indirect_vreg.gather [hbm4b:s0+s3], $0x80, v3, vm0, $0xb8;
	[tilespmem:$0x8480] =	vst v63  }
0xfc: {  	v3 =	vld [tilespmem:$0x140];
	_ =	sdelay $0x4  }
0xfd: {  	v52 =	vshll.u32 v3, $0x1  }
0xfe: {  	v3 =	vand.u32 $0x7, v3;
	v4 =	vand.u32 $0xFFFFFFF0, v52  }
0xff: {  	v3 =	vor.u32 v3, v4  }
0x100: {  	v4 =	vperm.xlane v3, v0;
	_ =	sdelay $0x1  }
0x101: {  	v3 =	vperm.xlane v3, v2;
	v4 =	vadd.s32 v1, v4;
	_ =	sdelay $0x1  }
0x102: {  	v3 =	vadd.s32 v1, v3;
	_ =	sdelay $0x2  }
0x103: {  	[tilespmem:s17], [sflag:$0x1] =	stream.indirect_vreg.gather [hbm4b:s0+s3], $0x80, v4, vm0, $0xb8;
	[tilespmem:$0x8480] =	vst v63  }
0x104: {  	_ = 	snop  }
0x105: {  	[tilespmem:s18], [sflag:$0x1] =	stream.indirect_vreg.gather [hbm4b:s0+s3], $0x80, v3, vm0, $0xb8;
	[tilespmem:$0x8480] =	vst v63  }
0x106: {  	v3 =	vld [tilespmem:$0x150];
	_ =	sdelay $0x4  }
0x107: {  	v53 =	vshll.u32 v3, $0x1  }
0x108: {  	v3 =	vand.u32 $0x7, v3;
	v4 =	vand.u32 $0xFFFFFFF0, v53  }
0x109: {  	v3 =	vor.u32 v3, v4  }
0x10a: {  	v4 =	vperm.xlane v3, v0;
	_ =	sdelay $0x1  }
0x10b: {  	v3 =	vperm.xlane v3, v2;
	v4 =	vadd.s32 v1, v4;
	_ =	sdelay $0x1  }
0x10c: {  	v3 =	vadd.s32 v1, v3;
	_ =	sdelay $0x2  }
0x10d: {  	[tilespmem:s19], [sflag:$0x1] =	stream.indirect_vreg.gather [hbm4b:s0+s3], $0x80, v4, vm0, $0xb8;
	[tilespmem:$0x8480] =	vst v63  }
0x10e: {  	_ = 	snop  }
0x10f: {  	[tilespmem:s20], [sflag:$0x1] =	stream.indirect_vreg.gather [hbm4b:s0+s3], $0x80, v3, vm0, $0xb8;
	[tilespmem:$0x8480] =	vst v63  }
0x110: {  	v3 =	vld [tilespmem:$0x160];
	_ =	sdelay $0x4  }
0x111: {  	v54 =	vshll.u32 v3, $0x1  }
0x112: {  	v3 =	vand.u32 $0x7, v3;
	v4 =	vand.u32 $0xFFFFFFF0, v54  }
0x113: {  	v3 =	vor.u32 v3, v4  }
0x114: {  	v4 =	vperm.xlane v3, v0;
	_ =	sdelay $0x1  }
0x115: {  	v3 =	vperm.xlane v3, v2;
	v4 =	vadd.s32 v1, v4;
	_ =	sdelay $0x1  }
0x116: {  	v3 =	vadd.s32 v1, v3;
	_ =	sdelay $0x2  }
0x117: {  	[tilespmem:s21], [sflag:$0x1] =	stream.indirect_vreg.gather [hbm4b:s0+s3], $0x80, v4, vm0, $0xb8;
	[tilespmem:$0x8480] =	vst v63  }
0x118: {  	_ = 	snop  }
0x119: {  	[tilespmem:s22], [sflag:$0x1] =	stream.indirect_vreg.gather [hbm4b:s0+s3], $0x80, v3, vm0, $0xb8;
	[tilespmem:$0x8480] =	vst v63  }
0x11a: {  	v3 =	vld [tilespmem:$0x170];
	_ =	sdelay $0x4  }
0x11b: {  	v55 =	vshll.u32 v3, $0x1  }
0x11c: {  	v3 =	vand.u32 $0x7, v3;
	v4 =	vand.u32 $0xFFFFFFF0, v55  }
0x11d: {  	v3 =	vor.u32 v3, v4  }
0x11e: {  	v4 =	vperm.xlane v3, v0;
	_ =	sdelay $0x1  }
0x11f: {  	v3 =	vperm.xlane v3, v2;
	v4 =	vadd.s32 v1, v4;
	_ =	sdelay $0x1  }
0x120: {  	v3 =	vadd.s32 v1, v3;
	_ =	sdelay $0x2  }
0x121: {  	[tilespmem:s23], [sflag:$0x1] =	stream.indirect_vreg.gather [hbm4b:s0+s3], $0x80, v4, vm0, $0xb8;
	[tilespmem:$0x8480] =	vst v63  }
0x122: {  	_ = 	snop  }
0x123: {  	[tilespmem:s24], [sflag:$0x1] =	stream.indirect_vreg.gather [hbm4b:s0+s3], $0x80, v3, vm0, $0xb8;
	[tilespmem:$0x8480] =	vst v63  }
0x124: {  	_ =	swait.ge [sflag:s25], $0x8000  }
0x125: {  	[sflag:s25] =	ssyncset.done $0x0  }
0x126: {  	s1 =	rddreg [dreg:$0xb];
	[sflag:s25] =	ssyncadd.s32 $0xFFFF8000  }
0x127: {  	[hbm4b:s1+s3] =	stream.linear.scatter [tilespmem:s9], [sflag:$0x2], $0x8000, $0x38;
	[tilespmem:$0x8480] =	vst v63  }
0x128: {  	_ =	swait.ge [sflag:s7], $0x8000  }
0x129: {  	[sflag:s7] =	ssyncset.done $0x0  }
0x12a: {  	[sflag:s7] =	ssyncadd.s32 $0xFFFF8000  }
0x12b: {  	v3 =	vld [tilespmem:$0x180];
	_ =	sdelay $0x4  }
0x12c: {  	v56 =	vshll.u32 v3, $0x1  }
0x12d: {  	v3 =	vand.u32 $0x7, v3;
	v4 =	vand.u32 $0xFFFFFFF0, v56  }
0x12e: {  	v3 =	vor.u32 v3, v4  }
0x12f: {  	v4 =	vperm.xlane v3, v0;
	_ =	sdelay $0x1  }
0x130: {  	v3 =	vperm.xlane v3, v2;
	v4 =	vadd.s32 v1, v4;
	_ =	sdelay $0x1  }
0x131: {  	v3 =	vadd.s32 v1, v3;
	_ =	sdelay $0x2  }
0x132: {  	[tilespmem:s9], [sflag:$0x1] =	stream.indirect_vreg.gather [hbm4b:s0+s3], $0x80, v4, vm0, $0xb8;
	[tilespmem:$0x8480] =	vst v63  }
0x133: {  	_ = 	snop  }
0x134: {  	[tilespmem:s10], [sflag:$0x1] =	stream.indirect_vreg.gather [hbm4b:s0+s3], $0x80, v3, vm0, $0xb8;
	[tilespmem:$0x8480] =	vst v63  }
0x135: {  	v3 =	vld [tilespmem:$0x190];
	_ =	sdelay $0x4  }
0x136: {  	v57 =	vshll.u32 v3, $0x1  }
0x137: {  	v3 =	vand.u32 $0x7, v3;
	v4 =	vand.u32 $0xFFFFFFF0, v57  }
0x138: {  	v3 =	vor.u32 v3, v4  }
0x139: {  	v4 =	vperm.xlane v3, v0;
	_ =	sdelay $0x1  }
0x13a: {  	v3 =	vperm.xlane v3, v2;
	v4 =	vadd.s32 v1, v4;
	_ =	sdelay $0x1  }
0x13b: {  	v3 =	vadd.s32 v1, v3;
	_ =	sdelay $0x2  }
0x13c: {  	[tilespmem:s11], [sflag:$0x1] =	stream.indirect_vreg.gather [hbm4b:s0+s3], $0x80, v4, vm0, $0xb8;
	[tilespmem:$0x8480] =	vst v63  }
0x13d: {  	_ = 	snop  }
0x13e: {  	[tilespmem:s12], [sflag:$0x1] =	stream.indirect_vreg.gather [hbm4b:s0+s3], $0x80, v3, vm0, $0xb8;
	[tilespmem:$0x8480] =	vst v63  }
0x13f: {  	v3 =	vld [tilespmem:$0x1A0];
	_ =	sdelay $0x4  }
0x140: {  	v58 =	vshll.u32 v3, $0x1  }
0x141: {  	v3 =	vand.u32 $0x7, v3;
	v4 =	vand.u32 $0xFFFFFFF0, v58  }
0x142: {  	v3 =	vor.u32 v3, v4  }
0x143: {  	v4 =	vperm.xlane v3, v0;
	_ =	sdelay $0x1  }
0x144: {  	v3 =	vperm.xlane v3, v2;
	v4 =	vadd.s32 v1, v4;
	_ =	sdelay $0x1  }
0x145: {  	v3 =	vadd.s32 v1, v3;
	_ =	sdelay $0x2  }
0x146: {  	[tilespmem:s13], [sflag:$0x1] =	stream.indirect_vreg.gather [hbm4b:s0+s3], $0x80, v4, vm0, $0xb8;
	[tilespmem:$0x8480] =	vst v63  }
0x147: {  	_ = 	snop  }
0x148: {  	[tilespmem:s14], [sflag:$0x1] =	stream.indirect_vreg.gather [hbm4b:s0+s3], $0x80, v3, vm0, $0xb8;
	[tilespmem:$0x8480] =	vst v63  }
0x149: {  	v3 =	vld [tilespmem:$0x1B0];
	_ =	sdelay $0x4  }
0x14a: {  	v59 =	vshll.u32 v3, $0x1  }
0x14b: {  	v3 =	vand.u32 $0x7, v3;
	v4 =	vand.u32 $0xFFFFFFF0, v59  }
0x14c: {  	v3 =	vor.u32 v3, v4  }
0x14d: {  	v4 =	vperm.xlane v3, v0;
	_ =	sdelay $0x1  }
0x14e: {  	v3 =	vperm.xlane v3, v2;
	v4 =	vadd.s32 v1, v4;
	_ =	sdelay $0x1  }
0x14f: {  	v3 =	vadd.s32 v1, v3;
	_ =	sdelay $0x2  }
0x150: {  	[tilespmem:s15], [sflag:$0x1] =	stream.indirect_vreg.gather [hbm4b:s0+s3], $0x80, v4, vm0, $0xb8;
	[tilespmem:$0x8480] =	vst v63  }
0x151: {  	_ = 	snop  }
0x152: {  	[tilespmem:s16], [sflag:$0x1] =	stream.indirect_vreg.gather [hbm4b:s0+s3], $0x80, v3, vm0, $0xb8;
	[tilespmem:$0x8480] =	vst v63  }
0x153: {  	v3 =	vld [tilespmem:$0x1C0];
	_ =	sdelay $0x4  }
0x154: {  	v60 =	vshll.u32 v3, $0x1  }
0x155: {  	v3 =	vand.u32 $0x7, v3;
	v4 =	vand.u32 $0xFFFFFFF0, v60  }
0x156: {  	v3 =	vor.u32 v3, v4  }
0x157: {  	v4 =	vperm.xlane v3, v0;
	_ =	sdelay $0x1  }
0x158: {  	v3 =	vperm.xlane v3, v2;
	v4 =	vadd.s32 v1, v4;
	_ =	sdelay $0x1  }
0x159: {  	v3 =	vadd.s32 v1, v3;
	_ =	sdelay $0x2  }
0x15a: {  	[tilespmem:s17], [sflag:$0x1] =	stream.indirect_vreg.gather [hbm4b:s0+s3], $0x80, v4, vm0, $0xb8;
	[tilespmem:$0x8480] =	vst v63  }
0x15b: {  	_ = 	snop  }
0x15c: {  	[tilespmem:s18], [sflag:$0x1] =	stream.indirect_vreg.gather [hbm4b:s0+s3], $0x80, v3, vm0, $0xb8;
	[tilespmem:$0x8480] =	vst v63  }
0x15d: {  	v3 =	vld [tilespmem:$0x1D0];
	_ =	sdelay $0x4  }
0x15e: {  	v61 =	vshll.u32 v3, $0x1  }
0x15f: {  	v3 =	vand.u32 $0x7, v3;
	v4 =	vand.u32 $0xFFFFFFF0, v61  }
0x160: {  	v3 =	vor.u32 v3, v4  }
0x161: {  	v4 =	vperm.xlane v3, v0;
	_ =	sdelay $0x1  }
0x162: {  	v3 =	vperm.xlane v3, v2;
	v4 =	vadd.s32 v1, v4;
	_ =	sdelay $0x1  }
0x163: {  	v3 =	vadd.s32 v1, v3;
	_ =	sdelay $0x2  }
0x164: {  	[tilespmem:s19], [sflag:$0x1] =	stream.indirect_vreg.gather [hbm4b:s0+s3], $0x80, v4, vm0, $0xb8;
	[tilespmem:$0x8480] =	vst v63  }
0x165: {  	_ = 	snop  }
0x166: {  	[tilespmem:s20], [sflag:$0x1] =	stream.indirect_vreg.gather [hbm4b:s0+s3], $0x80, v3, vm0, $0xb8;
	[tilespmem:$0x8480] =	vst v63  }
0x167: {  	v3 =	vld [tilespmem:$0x1E0];
	_ =	sdelay $0x4  }
0x168: {  	v62 =	vshll.u32 v3, $0x1  }
0x169: {  	v3 =	vand.u32 $0x7, v3;
	v4 =	vand.u32 $0xFFFFFFF0, v62  }
0x16a: {  	v3 =	vor.u32 v3, v4  }
0x16b: {  	v4 =	vperm.xlane v3, v0;
	_ =	sdelay $0x1  }
0x16c: {  	v3 =	vperm.xlane v3, v2;
	v4 =	vadd.s32 v1, v4;
	_ =	sdelay $0x1  }
0x16d: {  	v3 =	vadd.s32 v1, v3;
	_ =	sdelay $0x2  }
0x16e: {  	[tilespmem:s21], [sflag:$0x1] =	stream.indirect_vreg.gather [hbm4b:s0+s3], $0x80, v4, vm0, $0xb8;
	[tilespmem:$0x8480] =	vst v63  }
0x16f: {  	_ = 	snop  }
0x170: {  	[tilespmem:s22], [sflag:$0x1] =	stream.indirect_vreg.gather [hbm4b:s0+s3], $0x80, v3, vm0, $0xb8;
	[tilespmem:$0x8480] =	vst v63  }
0x171: {  	v3 =	vld [tilespmem:$0x1F0];
	_ =	sdelay $0x4  }
0x172: {  	v63 =	vshll.u32 v3, $0x1  }
0x173: {  	v3 =	vand.u32 $0x7, v3;
	v4 =	vand.u32 $0xFFFFFFF0, v63  }
0x174: {  	v3 =	vor.u32 v3, v4  }
0x175: {  	v4 =	vperm.xlane v3, v0;
	_ =	sdelay $0x1  }
0x176: {  	v3 =	vperm.xlane v3, v2;
	v4 =	vadd.s32 v1, v4;
	_ =	sdelay $0x1  }
0x177: {  	v3 =	vadd.s32 v1, v3;
	_ =	sdelay $0x2  }
0x178: {  	[tilespmem:s23], [sflag:$0x1] =	stream.indirect_vreg.gather [hbm4b:s0+s3], $0x80, v4, vm0, $0xb8;
	[tilespmem:$0x8480] =	vst v63  }
0x179: {  	_ = 	snop  }
0x17a: {  	[tilespmem:s24], [sflag:$0x1] =	stream.indirect_vreg.gather [hbm4b:s0+s3], $0x80, v3, vm0, $0xb8;
	[tilespmem:$0x8480] =	vst v63  }
0x17b: {  	_ =	swait.ge [sflag:s25], $0x8000  }
0x17c: {  	[sflag:s25] =	ssyncset.done $0x0  }
0x17d: {  	s29 =	rddreg [dreg:$0xc];
	[sflag:s25] =	ssyncadd.s32 $0xFFFF8000  }
0x17e: {  	[hbm4b:s29+s3] =	stream.linear.scatter [tilespmem:s9], [sflag:$0x2], $0x8000, $0x38;
	[tilespmem:$0x8480] =	vst v63  }
0x17f: {  	_ =	swait.ge [sflag:s7], $0x8000  }
0x180: {  	s30 =	simm.s32 @!p0 $0x1C02;
	[sflag:s7] =	ssyncset.done $0x0  }
0x181: {  	s29 =	sshrl.u32 @!p0 s2, $0x3;
	s28 =	rddreg [dreg:$0x8];
	[sflag:s7] =	ssyncadd.s32 $0xFFFF8000  }
0x182: {  	[spmem:s29], [sflag:s30] =	dma.local @!p0 [hbm:s28], $0x400  }
0x183: {  	s28 =	simm.s32 @!p0 $0x2  }
0x184: {  	_ =	swait.ge @!p0 [sflag:s28], $0x400  }
0x185: {  	[sflag:s28] =	ssyncset.done @!p0 $0x0  }
0x186: {  	[sflag:s28] =	ssyncadd.s32 @!p0 $0xFFFFFC00  }
0x187: {  	[bflag:$0x0] =	sbarrier.arrive $0xFFFF  }
0x188: {  	[spmem:s2] =	stream.indirect.scatter.add.f32 [tilespmem:s8], [sflag:$0x2], $0x1, s3, s26, $0xb8;
	[tilespmem:$0x8480] =	vst v63  }
0x189: {  	_ =	swait.ge [sflag:s7], $0x80  }
0x18a: {  	[sflag:s7] =	ssyncset.done $0x0  }
0x18b: {  	[sflag:s7] =	ssyncadd.s32 $0xFFFFFF80  }
0x18c: {  	[spmem:s2] =	stream.indirect.scatter.add.f32 [tilespmem:s8], [sflag:$0x2], $0x1, s26, s26, $0xb8;
	[tilespmem:$0x8480] =	vst v63  }
0x18d: {  	_ =	swait.ge [sflag:s7], $0x80  }
0x18e: {  	[sflag:s7] =	ssyncset.done $0x0  }
0x18f: {  	s30 =	rddreg [dreg:$0xe];
	[sflag:s7] =	ssyncadd.s32 $0xFFFFFF80  }
0x190: {  	[spmem:s2] =	stream.indirect.scatter.add.f32 [tilespmem:s8], [sflag:$0x2], $0x1, s30, s26, $0xb8;
	[tilespmem:$0x8480] =	vst v63  }
0x191: {  	_ =	swait.ge [sflag:s7], $0x80  }
0x192: {  	[sflag:s7] =	ssyncset.done $0x0  }
0x193: {  	s31 =	rddreg [dreg:$0xf];
	[sflag:s7] =	ssyncadd.s32 $0xFFFFFF80  }
0x194: {  	[spmem:s2] =	stream.indirect.scatter.add.f32 [tilespmem:s8], [sflag:$0x2], $0x1, s31, s26, $0xb8;
	[tilespmem:$0x8480] =	vst v63  }
0x195: {  	_ =	swait.ge [sflag:s7], $0x80  }
0x196: {  	[sflag:s7] =	ssyncset.done $0x0  }
0x197: {  	[sflag:s7] =	ssyncadd.s32 $0xFFFFFF80  }
0x198: {  	[bflag:$0x0] =	sbarrier.arrive $0xFFFF  }
0x199: {  	s28 =	rddreg [dreg:$0xd]  }
0x19a: {  	s6 =	sadd.s32 $0xFFFFFFFF, s6;
	s29 =	rddreg [dreg:$0x10]  }
0x19b: {  	p1 =	sne.s32 s6, $0x0;
	s30 =	rddreg [dreg:$0x11]  }
.Ltmp0:
0x19c: {  	s1 =	sor.u32 $0x1C02, s4;
	s31 =	rddreg [dreg:$0x12];
	(pc) =	sbr.rel @p1 .LBB2_1-.Ltmp0, $4  }
0x19d: {  	[hbm:s28@s30], [sflag:s1] =	dma.strided [spmem:s29@s31], $0x40, s25, $0x10   }
0x19e: {  	_ =	swait.ge [sflag:s7], $0x40  }
0x19f: {  	[sflag:s7] =	ssyncset.done $0x0  }
0x1a0: {  	[sflag:s7] =	ssyncadd.s32 $0xFFFFFFC0  }
0x1a1: {  	_ =	sfence.sel $0x180000  }
0x1a2: {  	[bflag:$0x0] =	sbarrier.arrive $0xFFFF  }
0x1a3: {  	_ =	strace $0x90000047  }
0x1a4: {  	[bflag:$0x2] =	sbarrier.arrive $0xFFFF  }
0x1a5: {  	s0 =	rddreg [dreg:$0x6]  }
0x1a6: {  	s0 =	sadd.s32 @!p0 $0x100000, s0  }
0x1a7: {  	[sflag:s0] =	ssyncadd.tile.s32 @!p0 $0x1;
	_ =	shalt  }
.Lfunc_end2:
_tile_overlayer_lowered:
.L_overlay_start_2:
0x1a8: {  	(tag) =	ssettag $0x2  }
0x1a9: {  	s0 =	rddreg [dreg:$0x0];
	s2 =	stileid.u32  }
0x1aa: {  	s1 =	rddreg [dreg:$0x1];
	p0 =	sne.s32 s2, $0x0  }
0x1ab: {  	s3 =	rddreg [dreg:$0x2];
	[bflag:$0x3] =	sbarrier.arrive $0xFFFF;
	s2 =	simm.s32 @!p0 $0x1C02  }
0x1ac: {  	[timem:s3], [sflag:s2] =	dma.local @!p0 [hbm:s0], s1  }
0x1ad: {  	s0 =	simm.s32 @!p0 $0x2  }
0x1ae: {  	_ =	swait.ge @!p0 [sflag:s0], s1  }
0x1af: {  	s1 =	ssub.s32 @!p0 $0x0, s1;
	[sflag:s0] =	ssyncset.done @!p0 $0x0  }
0x1b0: {  	[sflag:s0] =	ssyncadd.s32 @!p0 s1  }
0x1b1: {  	[bflag:$0x3] =	sbarrier.arrive $0xFFFF  }
0x1b2: {  	_ =	shalt  }

</sc_bundles>
